<compile_context>
chip_gen: v7x
topology: tpu7x:2x2x1
jax: 0.10.2.dev20260603
libtpu: 0.0.44.dev20260713+nightly
codegen_flags: <defaults>
</compile_context>

<pallas_src>
import functools

import jax
import jax.numpy as jnp
from jax import lax
from jax.experimental import pallas as pl
from jax.experimental.pallas import tpu as pltpu
from jax.experimental.pallas import tpu_sc as plsc

N_NODES = 10000
N_EDGES = 160000
IN_CH = 128
EDGE_CH = 16
OUT_CH = 4
HID = 8

N_PAD = 10240
E_PAD = 163840
EBLK = 512
NBLK = E_PAD // EBLK
NW = 32
BLK_PER_W = NBLK // NW
ROWW = 40
MSGW = 8
STRIPE = N_PAD // 16


def _precompute_body(x_ref, w2x_ref, root_ref, t40_ref, xr_ref):
    xb = x_ref[...]
    t40_ref[...] = jnp.dot(xb, w2x_ref[...], preferred_element_type=jnp.float32)
    xr_ref[...] = jnp.dot(xb, root_ref[...], preferred_element_type=jnp.float32)


def _edge_mlp_body(ea_ref, w1t_ref, b1b_ref, h_ref):
    h = jnp.dot(ea_ref[...], w1t_ref[...], preferred_element_type=jnp.float32)
    h_ref[...] = jnp.maximum(h + b1b_ref[...][0:1, :], 0.0)


def kernel(x, edge_index, edge_attr, W1, b1, W2, b2, root, bias, Wf, bf):
    f32 = jnp.float32
    i32 = jnp.int32

    src = edge_index[0].astype(i32)
    dst = edge_index[1].astype(i32)
    pad_e = E_PAD - N_EDGES
    src_p = jnp.concatenate([src, jnp.zeros((pad_e,), i32)]).reshape(E_PAD // 128, 128)
    dst_p = jnp.concatenate([dst, jnp.full((pad_e,), N_NODES, i32)]).reshape(E_PAD // 128, 128)
    ea_p = jnp.concatenate(
        [edge_attr.astype(f32), jnp.zeros((pad_e, EDGE_CH), f32)], axis=0)
    x_p = jnp.concatenate(
        [x.astype(f32), jnp.zeros((N_PAD - N_NODES, IN_CH), f32)], axis=0)
    w2r = W2.astype(f32).reshape(IN_CH, OUT_CH, HID)
    b2r = b2.astype(f32).reshape(IN_CH, OUT_CH)
    w2x = jnp.concatenate(
        [w2r, b2r[:, :, None], jnp.zeros((IN_CH, OUT_CH, 1), f32)],
        axis=2).reshape(IN_CH, OUT_CH * 10)
    w1t = W1.astype(f32).T
    b1b = jnp.broadcast_to(b1.astype(f32), (8, HID))
    biasb = jnp.broadcast_to(bias.astype(f32), (8, OUT_CH))
    wft = Wf.astype(f32).T
    bfb = jnp.broadcast_to(bf.astype(f32), (8, OUT_CH))
    zrows = jnp.zeros((N_PAD, MSGW), f32)

    nb = N_PAD // 1024
    t40, xr = pl.pallas_call(
        _precompute_body,
        grid=(nb,),
        in_specs=[
            pl.BlockSpec((1024, IN_CH), lambda i: (i, 0)),
            pl.BlockSpec((IN_CH, ROWW), lambda i: (0, 0)),
            pl.BlockSpec((IN_CH, OUT_CH), lambda i: (0, 0)),
        ],
        out_specs=[
            pl.BlockSpec((1024, ROWW), lambda i: (i, 0)),
            pl.BlockSpec((1024, OUT_CH), lambda i: (i, 0)),
        ],
        out_shape=[
            jax.ShapeDtypeStruct((N_PAD, ROWW), f32),
            jax.ShapeDtypeStruct((N_PAD, OUT_CH), f32),
        ],
    )(x_p, w2x, root.astype(f32))

    eb = E_PAD // 2048
    h = pl.pallas_call(
        _edge_mlp_body,
        grid=(eb,),
        in_specs=[
            pl.BlockSpec((2048, EDGE_CH), lambda i: (i, 0)),
            pl.BlockSpec((EDGE_CH, HID), lambda i: (0, 0)),
            pl.BlockSpec((8, HID), lambda i: (0, 0)),
        ],
        out_specs=pl.BlockSpec((2048, HID), lambda i: (i, 0)),
        out_shape=jax.ShapeDtypeStruct((E_PAD, HID), f32),
    )(ea_p, w1t, b1b)

    mesh = plsc.VectorSubcoreMesh(core_axis_name="c", subcore_axis_name="s")

    def sc_body(t40_hbm, h_hbm, src_hbm, dst_hbm, z_hbm, out_hbm,
                srcv, dstv, hv, tg, msgv, accs, gsem):
        c = lax.axis_index("c")
        s = lax.axis_index("s")
        wid = s * 2 + c
        stripe0 = s * STRIPE
        iota = lax.iota(i32, 16)

        pltpu.sync_copy(z_hbm.at[pl.ds(stripe0, STRIPE)],
                        accs.at[pl.ds(stripe0, STRIPE)])
        def initg(g, carry):
            rows = iota + g * 16
            plsc.store_scatter(msgv, [rows, jnp.full((16,), 4, i32)],
                               jnp.full((16,), 1.0, f32))
            for col in (5, 6, 7):
                plsc.store_scatter(msgv, [rows, jnp.full((16,), col, i32)],
                                   jnp.zeros((16,), f32))
            return carry
        lax.fori_loop(0, EBLK // 16, initg, 0)
        plsc.subcore_barrier()

        def block_body(t, carry):
            b = wid * BLK_PER_W + t
            pltpu.sync_copy(src_hbm.at[pl.ds(b * 4, 4)], srcv)
            pltpu.sync_copy(dst_hbm.at[pl.ds(b * 4, 4)], dstv)
            pltpu.sync_copy(h_hbm.at[pl.ds(b * EBLK, EBLK)], hv)
            cps = [pltpu.async_copy(t40_hbm.at[srcv.at[j]],
                                    tg.at[pl.ds(j * 128, 128)], gsem)
                   for j in range(4)]
            for cp in cps:
                cp.wait()

            def group(g, gcarry):
                rows = iota + g * 16
                hk = [plsc.load_gather(hv, [rows, jnp.full((16,), k, i32)])
                      for k in range(HID)]
                for o in range(OUT_CH):
                    acc = plsc.load_gather(
                        tg, [rows, jnp.full((16,), o * 10 + 8, i32)])
                    for k in range(HID):
                        acc = acc + hk[k] * plsc.load_gather(
                            tg, [rows, jnp.full((16,), o * 10 + k, i32)])
                    plsc.store_scatter(msgv, [rows, jnp.full((16,), o, i32)], acc)
                return gcarry
            lax.fori_loop(0, EBLK // 16, group, 0)

            for j in range(4):
                pltpu.sync_copy(msgv.at[pl.ds(j * 128, 128)],
                                accs.at[dstv.at[j]], add=True)
            return carry
        lax.fori_loop(0, BLK_PER_W, block_body, 0)

        plsc.subcore_barrier()
        pltpu.sync_copy(accs.at[pl.ds(stripe0, STRIPE)],
                        out_hbm.at[c, pl.ds(stripe0, STRIPE)])

    sc_call = pl.kernel(
        sc_body,
        out_type=jax.ShapeDtypeStruct((2, N_PAD, MSGW), f32),
        mesh=mesh,
        compiler_params=pltpu.CompilerParams(
            needs_layout_passes=False, use_tc_tiling_on_sc=False),
        scratch_types=[
            pltpu.VMEM((4, 128), i32),
            pltpu.VMEM((4, 128), i32),
            pltpu.VMEM((EBLK, HID), f32),
            pltpu.VMEM((EBLK, ROWW), f32),
            pltpu.VMEM((EBLK, MSGW), f32),
            pltpu.VMEM_SHARED((N_PAD, MSGW), f32),
            pltpu.SemaphoreType.DMA,
        ],
    )
    parts = sc_call(t40, h, src_p, dst_p, zrows)

    def combine_body(p0_ref, p1_ref, xr_ref, biasb_ref, wft_ref, bfb_ref, out_ref):
        p0 = p0_ref[...]
        p1 = p1_ref[...]
        s4 = p0[:, 0:OUT_CH] + p1[:, 0:OUT_CH]
        cnt = p0[:, OUT_CH:OUT_CH + 1] + p1[:, OUT_CH:OUT_CH + 1]
        agg = s4 / jnp.maximum(cnt, 1.0)
        outn = jnp.maximum(agg + xr_ref[...] + biasb_ref[...][0:1, :], 0.0)
        rowid = lax.broadcasted_iota(i32, (N_PAD, 1), 0)
        outn = jnp.where(rowid < N_NODES, outn, 0.0)
        y = jnp.dot(outn, wft_ref[...], preferred_element_type=f32)
        pooled = jnp.sum(y, axis=0, keepdims=True) / float(N_NODES)
        out_ref[...] = pooled + bfb_ref[...][0:1, :]

    out = pl.pallas_call(
        combine_body,
        out_shape=jax.ShapeDtypeStruct((1, OUT_CH), f32),
    )(parts[0], parts[1], xr, biasb, wft, bfb)
    return out

# --- scband reference (transcript-rebuilt; emitter-appended) ---
"""Pipeline reference for scband-net-68401649156288 (READ-ONLY COPY).

The authoritative reference and input builder live on the scoring server;
editing this copy changes nothing except your own understanding.
"""

import jax, jax.numpy as jnp
import numpy as np

N_NODES = 10000
N_EDGES = 160000
IN_CH = 128
EDGE_CH = 16
OUT_CH = 4
HID = 8


def setup_inputs(seed: int = 0) -> dict:
    key = jax.random.key(seed)
    ks = jax.random.split(key, 12)
    x = jax.random.normal(ks[0], (N_NODES, IN_CH), dtype=jnp.float32)
    edge_index = jax.random.randint(ks[1], (2, N_EDGES), 0, N_NODES, dtype=jnp.int64)
    edge_attr = jax.random.normal(ks[2], (N_EDGES, EDGE_CH), dtype=jnp.float32)
    # edge nn: Linear(EDGE_CH, HID) -> ReLU -> Linear(HID, IN_CH*OUT_CH)
    W1 = jax.random.normal(ks[3], (HID, EDGE_CH), dtype=jnp.float32) * (1.0 / np.sqrt(EDGE_CH))
    b1 = jnp.zeros((HID,), dtype=jnp.float32)
    W2 = jax.random.normal(ks[4], (IN_CH * OUT_CH, HID), dtype=jnp.float32) * (1.0 / np.sqrt(HID))
    b2 = jnp.zeros((IN_CH * OUT_CH,), dtype=jnp.float32)
    # NNConv root weight [in, out] and bias [out]
    root = jax.random.normal(ks[5], (IN_CH, OUT_CH), dtype=jnp.float32) * (1.0 / np.sqrt(IN_CH))
    bias = jnp.zeros((OUT_CH,), dtype=jnp.float32)
    # fc: Linear(OUT_CH, OUT_CH)
    Wf = jax.random.normal(ks[6], (OUT_CH, OUT_CH), dtype=jnp.float32) * (1.0 / np.sqrt(OUT_CH))
    bf = jnp.zeros((OUT_CH,), dtype=jnp.float32)
    return {"x": x, "edge_index": edge_index, "edge_attr": edge_attr,
            "W1": W1, "b1": b1, "W2": W2, "b2": b2,
            "root": root, "bias": bias, "Wf": Wf, "bf": bf}


def reference(x, edge_index, edge_attr, W1, b1, W2, b2, root, bias, Wf, bf):
    src = edge_index[0]
    dst = edge_index[1]
    n = x.shape[0]
    # edge network -> per-edge dynamic weight [E, in, out]
    h = jax.nn.relu(edge_attr @ W1.T + b1)
    We = (h @ W2.T + b2).reshape(-1, IN_CH, OUT_CH)
    # message: x_j (source) transformed by per-edge weight
    xj = jnp.take(x, src, axis=0)
    msg = jnp.einsum('ei,eio->eo', xj, We)
    # mean aggregation at dst
    summed = jax.ops.segment_sum(msg, dst, num_segments=n)
    cnt = jax.ops.segment_sum(jnp.ones((msg.shape[0],), dtype=msg.dtype), dst, num_segments=n)
    agg = summed / jnp.clip(cnt, 1.0, None)[:, None]
    # root weight + bias (NNConv)
    out = agg + x @ root + bias
    out = jax.nn.relu(out)
    # global_mean_pool with batch = zeros -> mean over all nodes
    pooled = jnp.mean(out, axis=0, keepdims=True)
    return pooled @ Wf.T + bf

if __name__ == "__main__":
    import jax
    _d = setup_inputs()
    print(jax.jit(kernel)(*tuple(_d.values())))

</pallas_src>

<mosaic_0001>
#map = affine_map<(d0, d1) -> (0, 0)>
#map1 = affine_map<(d0, d1) -> (0, 0, 0)>
module attributes {stable_mosaic.version = 14 : i64} {
  func.func @sc_body(%arg0: i32, %arg1: i32, %arg2: memref<10240x40xf32, #tpu.memory_space<hbm>>, %arg3: memref<163840x8xf32, #tpu.memory_space<hbm>>, %arg4: memref<1280x128xi32, #tpu.memory_space<hbm>>, %arg5: memref<1280x128xi32, #tpu.memory_space<hbm>>, %arg6: memref<10240x8xf32, #tpu.memory_space<hbm>>, %arg7: memref<2x10240x8xf32, #tpu.memory_space<hbm>>, %arg8: memref<4x128xi32, #tpu.memory_space<vmem>>, %arg9: memref<4x128xi32, #tpu.memory_space<vmem>>, %arg10: memref<512x8xf32, #tpu.memory_space<vmem>>, %arg11: memref<512x40xf32, #tpu.memory_space<vmem>>, %arg12: memref<512x8xf32, #tpu.memory_space<vmem>>, %arg13: memref<10240x8xf32, #tpu.memory_space<vmem_shared>>, %arg14: memref<!tpu.dma_semaphore, #tpu.memory_space<semaphore_mem>>) attributes {dimension_semantics = [#tpu.dimension_semantics<core_parallel>, #tpu.dimension_semantics<subcore_parallel>], iteration_bounds = array<i64: 2, 16>, scalar_prefetch = 0 : i64, scratch_operands = 7 : i64, tpu.core_type = #tpu.core_type<sc_vector_subcore>, window_params = [{transform_indices = #map}, {transform_indices = #map}, {transform_indices = #map}, {transform_indices = #map}, {transform_indices = #map}, {transform_indices = #map1}]} {
    %mul3A = arith.constant 2 : i32
    %mul3A_0 = arith.muli %arg1, %mul3A : i32
    %add3A = arith.addi %mul3A_0, %arg0 : i32
    %mul3A_1 = arith.constant 640 : i32
    %mul3A_2 = arith.muli %arg1, %mul3A_1 : i32
    %iota3A = tpu.iota {dimensions = array<i32: 0>} : vector<16xi32>
    "tpu.region"() ({
      %run_scoped3A = tpu.sem_alloc : memref<!tpu.dma_semaphore, #tpu.memory_space<semaphore_mem>>
      %dma_start3A = arith.constant 0 : i32
      %dma_start3A_15 = tpu.memref_slice %arg13[%mul3A_2, %dma_start3A] : memref<10240x8xf32, #tpu.memory_space<vmem_shared>> -> memref<640x8xf32, #tpu.memory_space<vmem_shared>>
      %dma_start3A_16 = arith.constant 0 : i32
      %dma_start3A_17 = tpu.memref_slice %arg6[%mul3A_2, %dma_start3A_16] : memref<10240x8xf32, #tpu.memory_space<hbm>> -> memref<640x8xf32, #tpu.memory_space<hbm>>
      tpu.enqueue_dma source(%dma_start3A_17 : memref<640x8xf32, #tpu.memory_space<hbm>>) target(%dma_start3A_15 : memref<640x8xf32, #tpu.memory_space<vmem_shared>>) target_semaphore(%run_scoped3A : memref<!tpu.dma_semaphore, #tpu.memory_space<semaphore_mem>>)
      %dma_wait3A = arith.constant 0 : i32
      %dma_wait3A_18 = tpu.memref_slice %arg13[%mul3A_2, %dma_wait3A] : memref<10240x8xf32, #tpu.memory_space<vmem_shared>> -> memref<640x8xf32, #tpu.memory_space<vmem_shared>>
      %dma_wait3A_19 = arith.constant 0 : i32
      %dma_wait3A_20 = tpu.memref_slice %arg6[%mul3A_2, %dma_wait3A_19] : memref<10240x8xf32, #tpu.memory_space<hbm>> -> memref<640x8xf32, #tpu.memory_space<hbm>>
      tpu.wait_dma2 semaphore(%run_scoped3A : memref<!tpu.dma_semaphore, #tpu.memory_space<semaphore_mem>>) src(%dma_wait3A_20 : memref<640x8xf32, #tpu.memory_space<hbm>>) dst(%dma_wait3A_18 : memref<640x8xf32, #tpu.memory_space<vmem_shared>>)
      tpu.yield
    }) : () -> ()
    %scan3A = arith.constant 0 : i32
    %scan3A_3 = arith.constant 0 : i32
    %scan3A_4 = arith.constant 32 : i32
    %scan3A_5 = arith.addi %scan3A_3, %scan3A_4 : i32
    %scan3A_6 = arith.constant 1 : i32
    scf.for %scan3A_15 = %scan3A_3 to %scan3A_5 step %scan3A_6  : i32 {
      %mul3A_16 = arith.constant 16 : i32
      %mul3A_17 = arith.muli %scan3A_15, %mul3A_16 : i32
      %add3A_18 = vector.broadcast %mul3A_17 : i32 to vector<16xi32>
      %add3A_19 = arith.addi %iota3A, %add3A_18 : vector<16xi32>
      %broadcast_in_dim3A = arith.constant 4 : i32
      %broadcast_in_dim3A_20 = vector.broadcast %broadcast_in_dim3A : i32 to vector<16xi32>
      %broadcast_in_dim3A_21 = arith.constant 1.000000e+00 : f32
      %broadcast_in_dim3A_22 = vector.broadcast %broadcast_in_dim3A_21 : f32 to vector<16xf32>
      tpu.vector_store_idx %arg12[%add3A_19, %broadcast_in_dim3A_20], %broadcast_in_dim3A_22 : memref<512x8xf32, #tpu.memory_space<vmem>>[vector<16xi32>, vector<16xi32>], vector<16xf32>,
      %broadcast_in_dim3A_23 = arith.constant 5 : i32
      %broadcast_in_dim3A_24 = vector.broadcast %broadcast_in_dim3A_23 : i32 to vector<16xi32>
      %broadcast_in_dim3A_25 = arith.constant 0.000000e+00 : f32
      %broadcast_in_dim3A_26 = vector.broadcast %broadcast_in_dim3A_25 : f32 to vector<16xf32>
      tpu.vector_store_idx %arg12[%add3A_19, %broadcast_in_dim3A_24], %broadcast_in_dim3A_26 : memref<512x8xf32, #tpu.memory_space<vmem>>[vector<16xi32>, vector<16xi32>], vector<16xf32>,
      %broadcast_in_dim3A_27 = arith.constant 6 : i32
      %broadcast_in_dim3A_28 = vector.broadcast %broadcast_in_dim3A_27 : i32 to vector<16xi32>
      %broadcast_in_dim3A_29 = arith.constant 0.000000e+00 : f32
      %broadcast_in_dim3A_30 = vector.broadcast %broadcast_in_dim3A_29 : f32 to vector<16xf32>
      tpu.vector_store_idx %arg12[%add3A_19, %broadcast_in_dim3A_28], %broadcast_in_dim3A_30 : memref<512x8xf32, #tpu.memory_space<vmem>>[vector<16xi32>, vector<16xi32>], vector<16xf32>,
      %broadcast_in_dim3A_31 = arith.constant 7 : i32
      %broadcast_in_dim3A_32 = vector.broadcast %broadcast_in_dim3A_31 : i32 to vector<16xi32>
      %broadcast_in_dim3A_33 = arith.constant 0.000000e+00 : f32
      %broadcast_in_dim3A_34 = vector.broadcast %broadcast_in_dim3A_33 : f32 to vector<16xf32>
      tpu.vector_store_idx %arg12[%add3A_19, %broadcast_in_dim3A_32], %broadcast_in_dim3A_34 : memref<512x8xf32, #tpu.memory_space<vmem>>[vector<16xi32>, vector<16xi32>], vector<16xf32>,
    }
    %scan3A_7 = arith.constant 32 : i32
    %barrier3A = arith.constant 0 : index
    tpu.barrier barrier_id(%barrier3A)
    %scan3A_8 = arith.constant 0 : i32
    %scan3A_9 = arith.constant 0 : i32
    %scan3A_10 = arith.constant 10 : i32
    %scan3A_11 = arith.addi %scan3A_9, %scan3A_10 : i32
    %scan3A_12 = arith.constant 1 : i32
    scf.for %scan3A_15 = %scan3A_9 to %scan3A_11 step %scan3A_12  : i32 {
      %mul3A_16 = arith.constant 10 : i32
      %mul3A_17 = arith.muli %add3A, %mul3A_16 : i32
      %add3A_18 = arith.addi %mul3A_17, %scan3A_15 : i32
      %mul3A_19 = arith.constant 4 : i32
      %mul3A_20 = arith.muli %add3A_18, %mul3A_19 : i32
      "tpu.region"() ({
        %run_scoped3A_112 = tpu.sem_alloc : memref<!tpu.dma_semaphore, #tpu.memory_space<semaphore_mem>>
        %dma_start3A_113 = arith.constant 0 : i32
        %dma_start3A_114 = tpu.memref_slice %arg4[%mul3A_20, %dma_start3A_113] : memref<1280x128xi32, #tpu.memory_space<hbm>> -> memref<4x128xi32, #tpu.memory_space<hbm>>
        %dma_start3A_115 = arith.constant 0 : i32
        %dma_start3A_116 = tpu.memref_slice %arg4[%mul3A_20, %dma_start3A_115] : memref<1280x128xi32, #tpu.memory_space<hbm>> -> memref<4x128xi32, #tpu.memory_space<hbm>>
        tpu.enqueue_dma source(%dma_start3A_116 : memref<4x128xi32, #tpu.memory_space<hbm>>) target(%arg8 : memref<4x128xi32, #tpu.memory_space<vmem>>) target_semaphore(%run_scoped3A_112 : memref<!tpu.dma_semaphore, #tpu.memory_space<semaphore_mem>>)
        %dma_wait3A_117 = arith.constant 0 : i32
        %dma_wait3A_118 = tpu.memref_slice %arg4[%mul3A_20, %dma_wait3A_117] : memref<1280x128xi32, #tpu.memory_space<hbm>> -> memref<4x128xi32, #tpu.memory_space<hbm>>
        %dma_wait3A_119 = arith.constant 0 : i32
        %dma_wait3A_120 = tpu.memref_slice %arg4[%mul3A_20, %dma_wait3A_119] : memref<1280x128xi32, #tpu.memory_space<hbm>> -> memref<4x128xi32, #tpu.memory_space<hbm>>
        tpu.wait_dma2 semaphore(%run_scoped3A_112 : memref<!tpu.dma_semaphore, #tpu.memory_space<semaphore_mem>>) src(%dma_wait3A_120 : memref<4x128xi32, #tpu.memory_space<hbm>>) dst(%arg8 : memref<4x128xi32, #tpu.memory_space<vmem>>)
        tpu.yield
      }) : () -> ()
      %mul3A_21 = arith.constant 4 : i32
      %mul3A_22 = arith.muli %add3A_18, %mul3A_21 : i32
      "tpu.region"() ({
        %run_scoped3A_112 = tpu.sem_alloc : memref<!tpu.dma_semaphore, #tpu.memory_space<semaphore_mem>>
        %dma_start3A_113 = arith.constant 0 : i32
        %dma_start3A_114 = tpu.memref_slice %arg5[%mul3A_22, %dma_start3A_113] : memref<1280x128xi32, #tpu.memory_space<hbm>> -> memref<4x128xi32, #tpu.memory_space<hbm>>
        %dma_start3A_115 = arith.constant 0 : i32
        %dma_start3A_116 = tpu.memref_slice %arg5[%mul3A_22, %dma_start3A_115] : memref<1280x128xi32, #tpu.memory_space<hbm>> -> memref<4x128xi32, #tpu.memory_space<hbm>>
        tpu.enqueue_dma source(%dma_start3A_116 : memref<4x128xi32, #tpu.memory_space<hbm>>) target(%arg9 : memref<4x128xi32, #tpu.memory_space<vmem>>) target_semaphore(%run_scoped3A_112 : memref<!tpu.dma_semaphore, #tpu.memory_space<semaphore_mem>>)
        %dma_wait3A_117 = arith.constant 0 : i32
        %dma_wait3A_118 = tpu.memref_slice %arg5[%mul3A_22, %dma_wait3A_117] : memref<1280x128xi32, #tpu.memory_space<hbm>> -> memref<4x128xi32, #tpu.memory_space<hbm>>
        %dma_wait3A_119 = arith.constant 0 : i32
        %dma_wait3A_120 = tpu.memref_slice %arg5[%mul3A_22, %dma_wait3A_119] : memref<1280x128xi32, #tpu.memory_space<hbm>> -> memref<4x128xi32, #tpu.memory_space<hbm>>
        tpu.wait_dma2 semaphore(%run_scoped3A_112 : memref<!tpu.dma_semaphore, #tpu.memory_space<semaphore_mem>>) src(%dma_wait3A_120 : memref<4x128xi32, #tpu.memory_space<hbm>>) dst(%arg9 : memref<4x128xi32, #tpu.memory_space<vmem>>)
        tpu.yield
      }) : () -> ()
      %mul3A_23 = arith.constant 512 : i32
      %mul3A_24 = arith.muli %add3A_18, %mul3A_23 : i32
      "tpu.region"() ({
        %run_scoped3A_112 = tpu.sem_alloc : memref<!tpu.dma_semaphore, #tpu.memory_space<semaphore_mem>>
        %dma_start3A_113 = arith.constant 0 : i32
        %dma_start3A_114 = tpu.memref_slice %arg3[%mul3A_24, %dma_start3A_113] : memref<163840x8xf32, #tpu.memory_space<hbm>> -> memref<512x8xf32, #tpu.memory_space<hbm>>
        %dma_start3A_115 = arith.constant 0 : i32
        %dma_start3A_116 = tpu.memref_slice %arg3[%mul3A_24, %dma_start3A_115] : memref<163840x8xf32, #tpu.memory_space<hbm>> -> memref<512x8xf32, #tpu.memory_space<hbm>>
        tpu.enqueue_dma source(%dma_start3A_116 : memref<512x8xf32, #tpu.memory_space<hbm>>) target(%arg10 : memref<512x8xf32, #tpu.memory_space<vmem>>) target_semaphore(%run_scoped3A_112 : memref<!tpu.dma_semaphore, #tpu.memory_space<semaphore_mem>>)
        %dma_wait3A_117 = arith.constant 0 : i32
        %dma_wait3A_118 = tpu.memref_slice %arg3[%mul3A_24, %dma_wait3A_117] : memref<163840x8xf32, #tpu.memory_space<hbm>> -> memref<512x8xf32, #tpu.memory_space<hbm>>
        %dma_wait3A_119 = arith.constant 0 : i32
        %dma_wait3A_120 = tpu.memref_slice %arg3[%mul3A_24, %dma_wait3A_119] : memref<163840x8xf32, #tpu.memory_space<hbm>> -> memref<512x8xf32, #tpu.memory_space<hbm>>
        tpu.wait_dma2 semaphore(%run_scoped3A_112 : memref<!tpu.dma_semaphore, #tpu.memory_space<semaphore_mem>>) src(%dma_wait3A_120 : memref<512x8xf32, #tpu.memory_space<hbm>>) dst(%arg10 : memref<512x8xf32, #tpu.memory_space<vmem>>)
        tpu.yield
      }) : () -> ()
      %dma_start3A = arith.constant 0 : i32
      %dma_start3A_25 = arith.constant 0 : i32
      %dma_start3A_26 = arith.constant 0 : i32
      %dma_start3A_27 = tpu.memref_slice %arg11[%dma_start3A_25, %dma_start3A_26] : memref<512x40xf32, #tpu.memory_space<vmem>> -> memref<128x40xf32, #tpu.memory_space<vmem>>
      %dma_start3A_28 = arith.constant 0 : i32
      %dma_start3A_29 = tpu.memref_slice %arg8[%dma_start3A, %dma_start3A_28] : memref<4x128xi32, #tpu.memory_space<vmem>> -> memref<1x128xi32, #tpu.memory_space<vmem>>
      %dma_start3A_30 = tpu.memref_squeeze %dma_start3A_29 : memref<1x128xi32, #tpu.memory_space<vmem>> -> memref<128xi32, #tpu.memory_space<vmem>>
      %dma_start3A_31 = arith.constant 0 : i32
      %dma_start3A_32 = arith.constant 0 : i32
      %dma_start3A_33 = tpu.memref_slice %arg2[%dma_start3A_31, %dma_start3A_32] : memref<10240x40xf32, #tpu.memory_space<hbm>> -> memref<10240x40xf32, #tpu.memory_space<hbm>>
      tpu.enqueue_indirect_dma source(%dma_start3A_33 : memref<10240x40xf32, #tpu.memory_space<hbm>>) target(%dma_start3A_27 : memref<128x40xf32, #tpu.memory_space<vmem>>) offsets(%dma_start3A_30 : memref<128xi32, #tpu.memory_space<vmem>>) semaphore(%arg14 : memref<!tpu.dma_semaphore, #tpu.memory_space<semaphore_mem>>)
      %dma_start3A_34 = arith.constant 1 : i32
      %dma_start3A_35 = arith.constant 128 : i32
      %dma_start3A_36 = arith.constant 0 : i32
      %dma_start3A_37 = tpu.memref_slice %arg11[%dma_start3A_35, %dma_start3A_36] : memref<512x40xf32, #tpu.memory_space<vmem>> -> memref<128x40xf32, #tpu.memory_space<vmem>>
      %dma_start3A_38 = arith.constant 0 : i32
      %dma_start3A_39 = tpu.memref_slice %arg8[%dma_start3A_34, %dma_start3A_38] : memref<4x128xi32, #tpu.memory_space<vmem>> -> memref<1x128xi32, #tpu.memory_space<vmem>>
      %dma_start3A_40 = tpu.memref_squeeze %dma_start3A_39 : memref<1x128xi32, #tpu.memory_space<vmem>> -> memref<128xi32, #tpu.memory_space<vmem>>
      %dma_start3A_41 = arith.constant 0 : i32
      %dma_start3A_42 = arith.constant 0 : i32
      %dma_start3A_43 = tpu.memref_slice %arg2[%dma_start3A_41, %dma_start3A_42] : memref<10240x40xf32, #tpu.memory_space<hbm>> -> memref<10240x40xf32, #tpu.memory_space<hbm>>
      tpu.enqueue_indirect_dma source(%dma_start3A_43 : memref<10240x40xf32, #tpu.memory_space<hbm>>) target(%dma_start3A_37 : memref<128x40xf32, #tpu.memory_space<vmem>>) offsets(%dma_start3A_40 : memref<128xi32, #tpu.memory_space<vmem>>) semaphore(%arg14 : memref<!tpu.dma_semaphore, #tpu.memory_space<semaphore_mem>>)
      %dma_start3A_44 = arith.constant 2 : i32
      %dma_start3A_45 = arith.constant 256 : i32
      %dma_start3A_46 = arith.constant 0 : i32
      %dma_start3A_47 = tpu.memref_slice %arg11[%dma_start3A_45, %dma_start3A_46] : memref<512x40xf32, #tpu.memory_space<vmem>> -> memref<128x40xf32, #tpu.memory_space<vmem>>
      %dma_start3A_48 = arith.constant 0 : i32
      %dma_start3A_49 = tpu.memref_slice %arg8[%dma_start3A_44, %dma_start3A_48] : memref<4x128xi32, #tpu.memory_space<vmem>> -> memref<1x128xi32, #tpu.memory_space<vmem>>
      %dma_start3A_50 = tpu.memref_squeeze %dma_start3A_49 : memref<1x128xi32, #tpu.memory_space<vmem>> -> memref<128xi32, #tpu.memory_space<vmem>>
      %dma_start3A_51 = arith.constant 0 : i32
      %dma_start3A_52 = arith.constant 0 : i32
      %dma_start3A_53 = tpu.memref_slice %arg2[%dma_start3A_51, %dma_start3A_52] : memref<10240x40xf32, #tpu.memory_space<hbm>> -> memref<10240x40xf32, #tpu.memory_space<hbm>>
      tpu.enqueue_indirect_dma source(%dma_start3A_53 : memref<10240x40xf32, #tpu.memory_space<hbm>>) target(%dma_start3A_47 : memref<128x40xf32, #tpu.memory_space<vmem>>) offsets(%dma_start3A_50 : memref<128xi32, #tpu.memory_space<vmem>>) semaphore(%arg14 : memref<!tpu.dma_semaphore, #tpu.memory_space<semaphore_mem>>)
      %dma_start3A_54 = arith.constant 3 : i32
      %dma_start3A_55 = arith.constant 384 : i32
      %dma_start3A_56 = arith.constant 0 : i32
      %dma_start3A_57 = tpu.memref_slice %arg11[%dma_start3A_55, %dma_start3A_56] : memref<512x40xf32, #tpu.memory_space<vmem>> -> memref<128x40xf32, #tpu.memory_space<vmem>>
      %dma_start3A_58 = arith.constant 0 : i32
      %dma_start3A_59 = tpu.memref_slice %arg8[%dma_start3A_54, %dma_start3A_58] : memref<4x128xi32, #tpu.memory_space<vmem>> -> memref<1x128xi32, #tpu.memory_space<vmem>>
      %dma_start3A_60 = tpu.memref_squeeze %dma_start3A_59 : memref<1x128xi32, #tpu.memory_space<vmem>> -> memref<128xi32, #tpu.memory_space<vmem>>
      %dma_start3A_61 = arith.constant 0 : i32
      %dma_start3A_62 = arith.constant 0 : i32
      %dma_start3A_63 = tpu.memref_slice %arg2[%dma_start3A_61, %dma_start3A_62] : memref<10240x40xf32, #tpu.memory_space<hbm>> -> memref<10240x40xf32, #tpu.memory_space<hbm>>
      tpu.enqueue_indirect_dma source(%dma_start3A_63 : memref<10240x40xf32, #tpu.memory_space<hbm>>) target(%dma_start3A_57 : memref<128x40xf32, #tpu.memory_space<vmem>>) offsets(%dma_start3A_60 : memref<128xi32, #tpu.memory_space<vmem>>) semaphore(%arg14 : memref<!tpu.dma_semaphore, #tpu.memory_space<semaphore_mem>>)
      %dma_wait3A = arith.constant 0 : i32
      %dma_wait3A_64 = arith.constant 0 : i32
      %dma_wait3A_65 = arith.constant 0 : i32
      %dma_wait3A_66 = tpu.memref_slice %arg11[%dma_wait3A_64, %dma_wait3A_65] : memref<512x40xf32, #tpu.memory_space<vmem>> -> memref<128x40xf32, #tpu.memory_space<vmem>>
      %dma_wait3A_67 = arith.constant 0 : i32
      %dma_wait3A_68 = tpu.memref_slice %arg8[%dma_wait3A, %dma_wait3A_67] : memref<4x128xi32, #tpu.memory_space<vmem>> -> memref<1x128xi32, #tpu.memory_space<vmem>>
      %dma_wait3A_69 = tpu.memref_squeeze %dma_wait3A_68 : memref<1x128xi32, #tpu.memory_space<vmem>> -> memref<128xi32, #tpu.memory_space<vmem>>
      %dma_wait3A_70 = arith.constant 0 : i32
      %dma_wait3A_71 = arith.constant 0 : i32
      %dma_wait3A_72 = tpu.memref_slice %arg2[%dma_wait3A_70, %dma_wait3A_71] : memref<10240x40xf32, #tpu.memory_space<hbm>> -> memref<10240x40xf32, #tpu.memory_space<hbm>>
      tpu.wait_indirect_dma semaphore(%arg14 : memref<!tpu.dma_semaphore, #tpu.memory_space<semaphore_mem>>) src(%dma_wait3A_72 : memref<10240x40xf32, #tpu.memory_space<hbm>>) dst(%dma_wait3A_66 : memref<128x40xf32, #tpu.memory_space<vmem>>)
      %dma_wait3A_73 = arith.constant 1 : i32
      %dma_wait3A_74 = arith.constant 128 : i32
      %dma_wait3A_75 = arith.constant 0 : i32
      %dma_wait3A_76 = tpu.memref_slice %arg11[%dma_wait3A_74, %dma_wait3A_75] : memref<512x40xf32, #tpu.memory_space<vmem>> -> memref<128x40xf32, #tpu.memory_space<vmem>>
      %dma_wait3A_77 = arith.constant 0 : i32
      %dma_wait3A_78 = tpu.memref_slice %arg8[%dma_wait3A_73, %dma_wait3A_77] : memref<4x128xi32, #tpu.memory_space<vmem>> -> memref<1x128xi32, #tpu.memory_space<vmem>>
      %dma_wait3A_79 = tpu.memref_squeeze %dma_wait3A_78 : memref<1x128xi32, #tpu.memory_space<vmem>> -> memref<128xi32, #tpu.memory_space<vmem>>
      %dma_wait3A_80 = arith.constant 0 : i32
      %dma_wait3A_81 = arith.constant 0 : i32
      %dma_wait3A_82 = tpu.memref_slice %arg2[%dma_wait3A_80, %dma_wait3A_81] : memref<10240x40xf32, #tpu.memory_space<hbm>> -> memref<10240x40xf32, #tpu.memory_space<hbm>>
      tpu.wait_indirect_dma semaphore(%arg14 : memref<!tpu.dma_semaphore, #tpu.memory_space<semaphore_mem>>) src(%dma_wait3A_82 : memref<10240x40xf32, #tpu.memory_space<hbm>>) dst(%dma_wait3A_76 : memref<128x40xf32, #tpu.memory_space<vmem>>)
      %dma_wait3A_83 = arith.constant 2 : i32
      %dma_wait3A_84 = arith.constant 256 : i32
      %dma_wait3A_85 = arith.constant 0 : i32
      %dma_wait3A_86 = tpu.memref_slice %arg11[%dma_wait3A_84, %dma_wait3A_85] : memref<512x40xf32, #tpu.memory_space<vmem>> -> memref<128x40xf32, #tpu.memory_space<vmem>>
      %dma_wait3A_87 = arith.constant 0 : i32
      %dma_wait3A_88 = tpu.memref_slice %arg8[%dma_wait3A_83, %dma_wait3A_87] : memref<4x128xi32, #tpu.memory_space<vmem>> -> memref<1x128xi32, #tpu.memory_space<vmem>>
      %dma_wait3A_89 = tpu.memref_squeeze %dma_wait3A_88 : memref<1x128xi32, #tpu.memory_space<vmem>> -> memref<128xi32, #tpu.memory_space<vmem>>
      %dma_wait3A_90 = arith.constant 0 : i32
      %dma_wait3A_91 = arith.constant 0 : i32
      %dma_wait3A_92 = tpu.memref_slice %arg2[%dma_wait3A_90, %dma_wait3A_91] : memref<10240x40xf32, #tpu.memory_space<hbm>> -> memref<10240x40xf32, #tpu.memory_space<hbm>>
      tpu.wait_indirect_dma semaphore(%arg14 : memref<!tpu.dma_semaphore, #tpu.memory_space<semaphore_mem>>) src(%dma_wait3A_92 : memref<10240x40xf32, #tpu.memory_space<hbm>>) dst(%dma_wait3A_86 : memref<128x40xf32, #tpu.memory_space<vmem>>)
      %dma_wait3A_93 = arith.constant 3 : i32
      %dma_wait3A_94 = arith.constant 384 : i32
      %dma_wait3A_95 = arith.constant 0 : i32
      %dma_wait3A_96 = tpu.memref_slice %arg11[%dma_wait3A_94, %dma_wait3A_95] : memref<512x40xf32, #tpu.memory_space<vmem>> -> memref<128x40xf32, #tpu.memory_space<vmem>>
      %dma_wait3A_97 = arith.constant 0 : i32
      %dma_wait3A_98 = tpu.memref_slice %arg8[%dma_wait3A_93, %dma_wait3A_97] : memref<4x128xi32, #tpu.memory_space<vmem>> -> memref<1x128xi32, #tpu.memory_space<vmem>>
      %dma_wait3A_99 = tpu.memref_squeeze %dma_wait3A_98 : memref<1x128xi32, #tpu.memory_space<vmem>> -> memref<128xi32, #tpu.memory_space<vmem>>
      %dma_wait3A_100 = arith.constant 0 : i32
      %dma_wait3A_101 = arith.constant 0 : i32
      %dma_wait3A_102 = tpu.memref_slice %arg2[%dma_wait3A_100, %dma_wait3A_101] : memref<10240x40xf32, #tpu.memory_space<hbm>> -> memref<10240x40xf32, #tpu.memory_space<hbm>>
      tpu.wait_indirect_dma semaphore(%arg14 : memref<!tpu.dma_semaphore, #tpu.memory_space<semaphore_mem>>) src(%dma_wait3A_102 : memref<10240x40xf32, #tpu.memory_space<hbm>>) dst(%dma_wait3A_96 : memref<128x40xf32, #tpu.memory_space<vmem>>)
      %scan3A_103 = arith.constant 0 : i32
      %scan3A_104 = arith.constant 0 : i32
      %scan3A_105 = arith.constant 32 : i32
      %scan3A_106 = arith.addi %scan3A_104, %scan3A_105 : i32
      %scan3A_107 = arith.constant 1 : i32
      scf.for %scan3A_112 = %scan3A_104 to %scan3A_106 step %scan3A_107  : i32 {
        %mul3A_113 = arith.constant 16 : i32
        %mul3A_114 = arith.muli %scan3A_112, %mul3A_113 : i32
        %add3A_115 = vector.broadcast %mul3A_114 : i32 to vector<16xi32>
        %add3A_116 = arith.addi %iota3A, %add3A_115 : vector<16xi32>
        %broadcast_in_dim3A = arith.constant 0 : i32
        %broadcast_in_dim3A_117 = vector.broadcast %broadcast_in_dim3A : i32 to vector<16xi32>
        %gather3A = tpu.vector_load_idx %arg10[%add3A_116, %broadcast_in_dim3A_117] : memref<512x8xf32, #tpu.memory_space<vmem>>[vector<16xi32>, vector<16xi32>], vector<16xf32>,
        %broadcast_in_dim3A_118 = arith.constant 1 : i32
        %broadcast_in_dim3A_119 = vector.broadcast %broadcast_in_dim3A_118 : i32 to vector<16xi32>
        %gather3A_120 = tpu.vector_load_idx %arg10[%add3A_116, %broadcast_in_dim3A_119] : memref<512x8xf32, #tpu.memory_space<vmem>>[vector<16xi32>, vector<16xi32>], vector<16xf32>,
        %broadcast_in_dim3A_121 = arith.constant 2 : i32
        %broadcast_in_dim3A_122 = vector.broadcast %broadcast_in_dim3A_121 : i32 to vector<16xi32>
        %gather3A_123 = tpu.vector_load_idx %arg10[%add3A_116, %broadcast_in_dim3A_122] : memref<512x8xf32, #tpu.memory_space<vmem>>[vector<16xi32>, vector<16xi32>], vector<16xf32>,
        %broadcast_in_dim3A_124 = arith.constant 3 : i32
        %broadcast_in_dim3A_125 = vector.broadcast %broadcast_in_dim3A_124 : i32 to vector<16xi32>
        %gather3A_126 = tpu.vector_load_idx %arg10[%add3A_116, %broadcast_in_dim3A_125] : memref<512x8xf32, #tpu.memory_space<vmem>>[vector<16xi32>, vector<16xi32>], vector<16xf32>,
        %broadcast_in_dim3A_127 = arith.constant 4 : i32
        %broadcast_in_dim3A_128 = vector.broadcast %broadcast_in_dim3A_127 : i32 to vector<16xi32>
        %gather3A_129 = tpu.vector_load_idx %arg10[%add3A_116, %broadcast_in_dim3A_128] : memref<512x8xf32, #tpu.memory_space<vmem>>[vector<16xi32>, vector<16xi32>], vector<16xf32>,
        %broadcast_in_dim3A_130 = arith.constant 5 : i32
        %broadcast_in_dim3A_131 = vector.broadcast %broadcast_in_dim3A_130 : i32 to vector<16xi32>
        %gather3A_132 = tpu.vector_load_idx %arg10[%add3A_116, %broadcast_in_dim3A_131] : memref<512x8xf32, #tpu.memory_space<vmem>>[vector<16xi32>, vector<16xi32>], vector<16xf32>,
        %broadcast_in_dim3A_133 = arith.constant 6 : i32
        %broadcast_in_dim3A_134 = vector.broadcast %broadcast_in_dim3A_133 : i32 to vector<16xi32>
        %gather3A_135 = tpu.vector_load_idx %arg10[%add3A_116, %broadcast_in_dim3A_134] : memref<512x8xf32, #tpu.memory_space<vmem>>[vector<16xi32>, vector<16xi32>], vector<16xf32>,
        %broadcast_in_dim3A_136 = arith.constant 7 : i32
        %broadcast_in_dim3A_137 = vector.broadcast %broadcast_in_dim3A_136 : i32 to vector<16xi32>
        %gather3A_138 = tpu.vector_load_idx %arg10[%add3A_116, %broadcast_in_dim3A_137] : memref<512x8xf32, #tpu.memory_space<vmem>>[vector<16xi32>, vector<16xi32>], vector<16xf32>,
        %broadcast_in_dim3A_139 = arith.constant 8 : i32
        %broadcast_in_dim3A_140 = vector.broadcast %broadcast_in_dim3A_139 : i32 to vector<16xi32>
        %gather3A_141 = tpu.vector_load_idx %arg11[%add3A_116, %broadcast_in_dim3A_140] : memref<512x40xf32, #tpu.memory_space<vmem>>[vector<16xi32>, vector<16xi32>], vector<16xf32>,
        %broadcast_in_dim3A_142 = arith.constant 0 : i32
        %broadcast_in_dim3A_143 = vector.broadcast %broadcast_in_dim3A_142 : i32 to vector<16xi32>
        %gather3A_144 = tpu.vector_load_idx %arg11[%add3A_116, %broadcast_in_dim3A_143] : memref<512x40xf32, #tpu.memory_space<vmem>>[vector<16xi32>, vector<16xi32>], vector<16xf32>,
        %mul3A_145 = arith.mulf %gather3A, %gather3A_144 : vector<16xf32>
        %add3A_146 = arith.addf %gather3A_141, %mul3A_145 : vector<16xf32>
        %broadcast_in_dim3A_147 = arith.constant 1 : i32
        %broadcast_in_dim3A_148 = vector.broadcast %broadcast_in_dim3A_147 : i32 to vector<16xi32>
        %gather3A_149 = tpu.vector_load_idx %arg11[%add3A_116, %broadcast_in_dim3A_148] : memref<512x40xf32, #tpu.memory_space<vmem>>[vector<16xi32>, vector<16xi32>], vector<16xf32>,
        %mul3A_150 = arith.mulf %gather3A_120, %gather3A_149 : vector<16xf32>
        %add3A_151 = arith.addf %add3A_146, %mul3A_150 : vector<16xf32>
        %broadcast_in_dim3A_152 = arith.constant 2 : i32
        %broadcast_in_dim3A_153 = vector.broadcast %broadcast_in_dim3A_152 : i32 to vector<16xi32>
        %gather3A_154 = tpu.vector_load_idx %arg11[%add3A_116, %broadcast_in_dim3A_153] : memref<512x40xf32, #tpu.memory_space<vmem>>[vector<16xi32>, vector<16xi32>], vector<16xf32>,
        %mul3A_155 = arith.mulf %gather3A_123, %gather3A_154 : vector<16xf32>
        %add3A_156 = arith.addf %add3A_151, %mul3A_155 : vector<16xf32>
        %broadcast_in_dim3A_157 = arith.constant 3 : i32
        %broadcast_in_dim3A_158 = vector.broadcast %broadcast_in_dim3A_157 : i32 to vector<16xi32>
        %gather3A_159 = tpu.vector_load_idx %arg11[%add3A_116, %broadcast_in_dim3A_158] : memref<512x40xf32, #tpu.memory_space<vmem>>[vector<16xi32>, vector<16xi32>], vector<16xf32>,
        %mul3A_160 = arith.mulf %gather3A_126, %gather3A_159 : vector<16xf32>
        %add3A_161 = arith.addf %add3A_156, %mul3A_160 : vector<16xf32>
        %broadcast_in_dim3A_162 = arith.constant 4 : i32
        %broadcast_in_dim3A_163 = vector.broadcast %broadcast_in_dim3A_162 : i32 to vector<16xi32>
        %gather3A_164 = tpu.vector_load_idx %arg11[%add3A_116, %broadcast_in_dim3A_163] : memref<512x40xf32, #tpu.memory_space<vmem>>[vector<16xi32>, vector<16xi32>], vector<16xf32>,
        %mul3A_165 = arith.mulf %gather3A_129, %gather3A_164 : vector<16xf32>
        %add3A_166 = arith.addf %add3A_161, %mul3A_165 : vector<16xf32>
        %broadcast_in_dim3A_167 = arith.constant 5 : i32
        %broadcast_in_dim3A_168 = vector.broadcast %broadcast_in_dim3A_167 : i32 to vector<16xi32>
        %gather3A_169 = tpu.vector_load_idx %arg11[%add3A_116, %broadcast_in_dim3A_168] : memref<512x40xf32, #tpu.memory_space<vmem>>[vector<16xi32>, vector<16xi32>], vector<16xf32>,
        %mul3A_170 = arith.mulf %gather3A_132, %gather3A_169 : vector<16xf32>
        %add3A_171 = arith.addf %add3A_166, %mul3A_170 : vector<16xf32>
        %broadcast_in_dim3A_172 = arith.constant 6 : i32
        %broadcast_in_dim3A_173 = vector.broadcast %broadcast_in_dim3A_172 : i32 to vector<16xi32>
        %gather3A_174 = tpu.vector_load_idx %arg11[%add3A_116, %broadcast_in_dim3A_173] : memref<512x40xf32, #tpu.memory_space<vmem>>[vector<16xi32>, vector<16xi32>], vector<16xf32>,
        %mul3A_175 = arith.mulf %gather3A_135, %gather3A_174 : vector<16xf32>
        %add3A_176 = arith.addf %add3A_171, %mul3A_175 : vector<16xf32>
        %broadcast_in_dim3A_177 = arith.constant 7 : i32
        %broadcast_in_dim3A_178 = vector.broadcast %broadcast_in_dim3A_177 : i32 to vector<16xi32>
        %gather3A_179 = tpu.vector_load_idx %arg11[%add3A_116, %broadcast_in_dim3A_178] : memref<512x40xf32, #tpu.memory_space<vmem>>[vector<16xi32>, vector<16xi32>], vector<16xf32>,
        %mul3A_180 = arith.mulf %gather3A_138, %gather3A_179 : vector<16xf32>
        %add3A_181 = arith.addf %add3A_176, %mul3A_180 : vector<16xf32>
        %broadcast_in_dim3A_182 = arith.constant 0 : i32
        %broadcast_in_dim3A_183 = vector.broadcast %broadcast_in_dim3A_182 : i32 to vector<16xi32>
        tpu.vector_store_idx %arg12[%add3A_116, %broadcast_in_dim3A_183], %add3A_181 : memref<512x8xf32, #tpu.memory_space<vmem>>[vector<16xi32>, vector<16xi32>], vector<16xf32>,
        %broadcast_in_dim3A_184 = arith.constant 18 : i32
        %broadcast_in_dim3A_185 = vector.broadcast %broadcast_in_dim3A_184 : i32 to vector<16xi32>
        %gather3A_186 = tpu.vector_load_idx %arg11[%add3A_116, %broadcast_in_dim3A_185] : memref<512x40xf32, #tpu.memory_space<vmem>>[vector<16xi32>, vector<16xi32>], vector<16xf32>,
        %broadcast_in_dim3A_187 = arith.constant 10 : i32
        %broadcast_in_dim3A_188 = vector.broadcast %broadcast_in_dim3A_187 : i32 to vector<16xi32>
        %gather3A_189 = tpu.vector_load_idx %arg11[%add3A_116, %broadcast_in_dim3A_188] : memref<512x40xf32, #tpu.memory_space<vmem>>[vector<16xi32>, vector<16xi32>], vector<16xf32>,
        %mul3A_190 = arith.mulf %gather3A, %gather3A_189 : vector<16xf32>
        %add3A_191 = arith.addf %gather3A_186, %mul3A_190 : vector<16xf32>
        %broadcast_in_dim3A_192 = arith.constant 11 : i32
        %broadcast_in_dim3A_193 = vector.broadcast %broadcast_in_dim3A_192 : i32 to vector<16xi32>
        %gather3A_194 = tpu.vector_load_idx %arg11[%add3A_116, %broadcast_in_dim3A_193] : memref<512x40xf32, #tpu.memory_space<vmem>>[vector<16xi32>, vector<16xi32>], vector<16xf32>,
        %mul3A_195 = arith.mulf %gather3A_120, %gather3A_194 : vector<16xf32>
        %add3A_196 = arith.addf %add3A_191, %mul3A_195 : vector<16xf32>
        %broadcast_in_dim3A_197 = arith.constant 12 : i32
        %broadcast_in_dim3A_198 = vector.broadcast %broadcast_in_dim3A_197 : i32 to vector<16xi32>
        %gather3A_199 = tpu.vector_load_idx %arg11[%add3A_116, %broadcast_in_dim3A_198] : memref<512x40xf32, #tpu.memory_space<vmem>>[vector<16xi32>, vector<16xi32>], vector<16xf32>,
        %mul3A_200 = arith.mulf %gather3A_123, %gather3A_199 : vector<16xf32>
        %add3A_201 = arith.addf %add3A_196, %mul3A_200 : vector<16xf32>
        %broadcast_in_dim3A_202 = arith.constant 13 : i32
        %broadcast_in_dim3A_203 = vector.broadcast %broadcast_in_dim3A_202 : i32 to vector<16xi32>
        %gather3A_204 = tpu.vector_load_idx %arg11[%add3A_116, %broadcast_in_dim3A_203] : memref<512x40xf32, #tpu.memory_space<vmem>>[vector<16xi32>, vector<16xi32>], vector<16xf32>,
        %mul3A_205 = arith.mulf %gather3A_126, %gather3A_204 : vector<16xf32>
        %add3A_206 = arith.addf %add3A_201, %mul3A_205 : vector<16xf32>
        %broadcast_in_dim3A_207 = arith.constant 14 : i32
        %broadcast_in_dim3A_208 = vector.broadcast %broadcast_in_dim3A_207 : i32 to vector<16xi32>
        %gather3A_209 = tpu.vector_load_idx %arg11[%add3A_116, %broadcast_in_dim3A_208] : memref<512x40xf32, #tpu.memory_space<vmem>>[vector<16xi32>, vector<16xi32>], vector<16xf32>,
        %mul3A_210 = arith.mulf %gather3A_129, %gather3A_209 : vector<16xf32>
        %add3A_211 = arith.addf %add3A_206, %mul3A_210 : vector<16xf32>
        %broadcast_in_dim3A_212 = arith.constant 15 : i32
        %broadcast_in_dim3A_213 = vector.broadcast %broadcast_in_dim3A_212 : i32 to vector<16xi32>
        %gather3A_214 = tpu.vector_load_idx %arg11[%add3A_116, %broadcast_in_dim3A_213] : memref<512x40xf32, #tpu.memory_space<vmem>>[vector<16xi32>, vector<16xi32>], vector<16xf32>,
        %mul3A_215 = arith.mulf %gather3A_132, %gather3A_214 : vector<16xf32>
        %add3A_216 = arith.addf %add3A_211, %mul3A_215 : vector<16xf32>
        %broadcast_in_dim3A_217 = arith.constant 16 : i32
        %broadcast_in_dim3A_218 = vector.broadcast %broadcast_in_dim3A_217 : i32 to vector<16xi32>
        %gather3A_219 = tpu.vector_load_idx %arg11[%add3A_116, %broadcast_in_dim3A_218] : memref<512x40xf32, #tpu.memory_space<vmem>>[vector<16xi32>, vector<16xi32>], vector<16xf32>,
        %mul3A_220 = arith.mulf %gather3A_135, %gather3A_219 : vector<16xf32>
        %add3A_221 = arith.addf %add3A_216, %mul3A_220 : vector<16xf32>
        %broadcast_in_dim3A_222 = arith.constant 17 : i32
        %broadcast_in_dim3A_223 = vector.broadcast %broadcast_in_dim3A_222 : i32 to vector<16xi32>
        %gather3A_224 = tpu.vector_load_idx %arg11[%add3A_116, %broadcast_in_dim3A_223] : memref<512x40xf32, #tpu.memory_space<vmem>>[vector<16xi32>, vector<16xi32>], vector<16xf32>,
        %mul3A_225 = arith.mulf %gather3A_138, %gather3A_224 : vector<16xf32>
        %add3A_226 = arith.addf %add3A_221, %mul3A_225 : vector<16xf32>
        %broadcast_in_dim3A_227 = arith.constant 1 : i32
        %broadcast_in_dim3A_228 = vector.broadcast %broadcast_in_dim3A_227 : i32 to vector<16xi32>
        tpu.vector_store_idx %arg12[%add3A_116, %broadcast_in_dim3A_228], %add3A_226 : memref<512x8xf32, #tpu.memory_space<vmem>>[vector<16xi32>, vector<16xi32>], vector<16xf32>,
        %broadcast_in_dim3A_229 = arith.constant 28 : i32
        %broadcast_in_dim3A_230 = vector.broadcast %broadcast_in_dim3A_229 : i32 to vector<16xi32>
        %gather3A_231 = tpu.vector_load_idx %arg11[%add3A_116, %broadcast_in_dim3A_230] : memref<512x40xf32, #tpu.memory_space<vmem>>[vector<16xi32>, vector<16xi32>], vector<16xf32>,
        %broadcast_in_dim3A_232 = arith.constant 20 : i32
        %broadcast_in_dim3A_233 = vector.broadcast %broadcast_in_dim3A_232 : i32 to vector<16xi32>
        %gather3A_234 = tpu.vector_load_idx %arg11[%add3A_116, %broadcast_in_dim3A_233] : memref<512x40xf32, #tpu.memory_space<vmem>>[vector<16xi32>, vector<16xi32>], vector<16xf32>,
        %mul3A_235 = arith.mulf %gather3A, %gather3A_234 : vector<16xf32>
        %add3A_236 = arith.addf %gather3A_231, %mul3A_235 : vector<16xf32>
        %broadcast_in_dim3A_237 = arith.constant 21 : i32
        %broadcast_in_dim3A_238 = vector.broadcast %broadcast_in_dim3A_237 : i32 to vector<16xi32>
        %gather3A_239 = tpu.vector_load_idx %arg11[%add3A_116, %broadcast_in_dim3A_238] : memref<512x40xf32, #tpu.memory_space<vmem>>[vector<16xi32>, vector<16xi32>], vector<16xf32>,
        %mul3A_240 = arith.mulf %gather3A_120, %gather3A_239 : vector<16xf32>
        %add3A_241 = arith.addf %add3A_236, %mul3A_240 : vector<16xf32>
        %broadcast_in_dim3A_242 = arith.constant 22 : i32
        %broadcast_in_dim3A_243 = vector.broadcast %broadcast_in_dim3A_242 : i32 to vector<16xi32>
        %gather3A_244 = tpu.vector_load_idx %arg11[%add3A_116, %broadcast_in_dim3A_243] : memref<512x40xf32, #tpu.memory_space<vmem>>[vector<16xi32>, vector<16xi32>], vector<16xf32>,
        %mul3A_245 = arith.mulf %gather3A_123, %gather3A_244 : vector<16xf32>
        %add3A_246 = arith.addf %add3A_241, %mul3A_245 : vector<16xf32>
        %broadcast_in_dim3A_247 = arith.constant 23 : i32
        %broadcast_in_dim3A_248 = vector.broadcast %broadcast_in_dim3A_247 : i32 to vector<16xi32>
        %gather3A_249 = tpu.vector_load_idx %arg11[%add3A_116, %broadcast_in_dim3A_248] : memref<512x40xf32, #tpu.memory_space<vmem>>[vector<16xi32>, vector<16xi32>], vector<16xf32>,
        %mul3A_250 = arith.mulf %gather3A_126, %gather3A_249 : vector<16xf32>
        %add3A_251 = arith.addf %add3A_246, %mul3A_250 : vector<16xf32>
        %broadcast_in_dim3A_252 = arith.constant 24 : i32
        %broadcast_in_dim3A_253 = vector.broadcast %broadcast_in_dim3A_252 : i32 to vector<16xi32>
        %gather3A_254 = tpu.vector_load_idx %arg11[%add3A_116, %broadcast_in_dim3A_253] : memref<512x40xf32, #tpu.memory_space<vmem>>[vector<16xi32>, vector<16xi32>], vector<16xf32>,
        %mul3A_255 = arith.mulf %gather3A_129, %gather3A_254 : vector<16xf32>
        %add3A_256 = arith.addf %add3A_251, %mul3A_255 : vector<16xf32>
        %broadcast_in_dim3A_257 = arith.constant 25 : i32
        %broadcast_in_dim3A_258 = vector.broadcast %broadcast_in_dim3A_257 : i32 to vector<16xi32>
        %gather3A_259 = tpu.vector_load_idx %arg11[%add3A_116, %broadcast_in_dim3A_258] : memref<512x40xf32, #tpu.memory_space<vmem>>[vector<16xi32>, vector<16xi32>], vector<16xf32>,
        %mul3A_260 = arith.mulf %gather3A_132, %gather3A_259 : vector<16xf32>
        %add3A_261 = arith.addf %add3A_256, %mul3A_260 : vector<16xf32>
        %broadcast_in_dim3A_262 = arith.constant 26 : i32
        %broadcast_in_dim3A_263 = vector.broadcast %broadcast_in_dim3A_262 : i32 to vector<16xi32>
        %gather3A_264 = tpu.vector_load_idx %arg11[%add3A_116, %broadcast_in_dim3A_263] : memref<512x40xf32, #tpu.memory_space<vmem>>[vector<16xi32>, vector<16xi32>], vector<16xf32>,
        %mul3A_265 = arith.mulf %gather3A_135, %gather3A_264 : vector<16xf32>
        %add3A_266 = arith.addf %add3A_261, %mul3A_265 : vector<16xf32>
        %broadcast_in_dim3A_267 = arith.constant 27 : i32
        %broadcast_in_dim3A_268 = vector.broadcast %broadcast_in_dim3A_267 : i32 to vector<16xi32>
        %gather3A_269 = tpu.vector_load_idx %arg11[%add3A_116, %broadcast_in_dim3A_268] : memref<512x40xf32, #tpu.memory_space<vmem>>[vector<16xi32>, vector<16xi32>], vector<16xf32>,
        %mul3A_270 = arith.mulf %gather3A_138, %gather3A_269 : vector<16xf32>
        %add3A_271 = arith.addf %add3A_266, %mul3A_270 : vector<16xf32>
        %broadcast_in_dim3A_272 = arith.constant 2 : i32
        %broadcast_in_dim3A_273 = vector.broadcast %broadcast_in_dim3A_272 : i32 to vector<16xi32>
        tpu.vector_store_idx %arg12[%add3A_116, %broadcast_in_dim3A_273], %add3A_271 : memref<512x8xf32, #tpu.memory_space<vmem>>[vector<16xi32>, vector<16xi32>], vector<16xf32>,
        %broadcast_in_dim3A_274 = arith.constant 38 : i32
        %broadcast_in_dim3A_275 = vector.broadcast %broadcast_in_dim3A_274 : i32 to vector<16xi32>
        %gather3A_276 = tpu.vector_load_idx %arg11[%add3A_116, %broadcast_in_dim3A_275] : memref<512x40xf32, #tpu.memory_space<vmem>>[vector<16xi32>, vector<16xi32>], vector<16xf32>,
        %broadcast_in_dim3A_277 = arith.constant 30 : i32
        %broadcast_in_dim3A_278 = vector.broadcast %broadcast_in_dim3A_277 : i32 to vector<16xi32>
        %gather3A_279 = tpu.vector_load_idx %arg11[%add3A_116, %broadcast_in_dim3A_278] : memref<512x40xf32, #tpu.memory_space<vmem>>[vector<16xi32>, vector<16xi32>], vector<16xf32>,
        %mul3A_280 = arith.mulf %gather3A, %gather3A_279 : vector<16xf32>
        %add3A_281 = arith.addf %gather3A_276, %mul3A_280 : vector<16xf32>
        %broadcast_in_dim3A_282 = arith.constant 31 : i32
        %broadcast_in_dim3A_283 = vector.broadcast %broadcast_in_dim3A_282 : i32 to vector<16xi32>
        %gather3A_284 = tpu.vector_load_idx %arg11[%add3A_116, %broadcast_in_dim3A_283] : memref<512x40xf32, #tpu.memory_space<vmem>>[vector<16xi32>, vector<16xi32>], vector<16xf32>,
        %mul3A_285 = arith.mulf %gather3A_120, %gather3A_284 : vector<16xf32>
        %add3A_286 = arith.addf %add3A_281, %mul3A_285 : vector<16xf32>
        %broadcast_in_dim3A_287 = arith.constant 32 : i32
        %broadcast_in_dim3A_288 = vector.broadcast %broadcast_in_dim3A_287 : i32 to vector<16xi32>
        %gather3A_289 = tpu.vector_load_idx %arg11[%add3A_116, %broadcast_in_dim3A_288] : memref<512x40xf32, #tpu.memory_space<vmem>>[vector<16xi32>, vector<16xi32>], vector<16xf32>,
        %mul3A_290 = arith.mulf %gather3A_123, %gather3A_289 : vector<16xf32>
        %add3A_291 = arith.addf %add3A_286, %mul3A_290 : vector<16xf32>
        %broadcast_in_dim3A_292 = arith.constant 33 : i32
        %broadcast_in_dim3A_293 = vector.broadcast %broadcast_in_dim3A_292 : i32 to vector<16xi32>
        %gather3A_294 = tpu.vector_load_idx %arg11[%add3A_116, %broadcast_in_dim3A_293] : memref<512x40xf32, #tpu.memory_space<vmem>>[vector<16xi32>, vector<16xi32>], vector<16xf32>,
        %mul3A_295 = arith.mulf %gather3A_126, %gather3A_294 : vector<16xf32>
        %add3A_296 = arith.addf %add3A_291, %mul3A_295 : vector<16xf32>
        %broadcast_in_dim3A_297 = arith.constant 34 : i32
        %broadcast_in_dim3A_298 = vector.broadcast %broadcast_in_dim3A_297 : i32 to vector<16xi32>
        %gather3A_299 = tpu.vector_load_idx %arg11[%add3A_116, %broadcast_in_dim3A_298] : memref<512x40xf32, #tpu.memory_space<vmem>>[vector<16xi32>, vector<16xi32>], vector<16xf32>,
        %mul3A_300 = arith.mulf %gather3A_129, %gather3A_299 : vector<16xf32>
        %add3A_301 = arith.addf %add3A_296, %mul3A_300 : vector<16xf32>
        %broadcast_in_dim3A_302 = arith.constant 35 : i32
        %broadcast_in_dim3A_303 = vector.broadcast %broadcast_in_dim3A_302 : i32 to vector<16xi32>
        %gather3A_304 = tpu.vector_load_idx %arg11[%add3A_116, %broadcast_in_dim3A_303] : memref<512x40xf32, #tpu.memory_space<vmem>>[vector<16xi32>, vector<16xi32>], vector<16xf32>,
        %mul3A_305 = arith.mulf %gather3A_132, %gather3A_304 : vector<16xf32>
        %add3A_306 = arith.addf %add3A_301, %mul3A_305 : vector<16xf32>
        %broadcast_in_dim3A_307 = arith.constant 36 : i32
        %broadcast_in_dim3A_308 = vector.broadcast %broadcast_in_dim3A_307 : i32 to vector<16xi32>
        %gather3A_309 = tpu.vector_load_idx %arg11[%add3A_116, %broadcast_in_dim3A_308] : memref<512x40xf32, #tpu.memory_space<vmem>>[vector<16xi32>, vector<16xi32>], vector<16xf32>,
        %mul3A_310 = arith.mulf %gather3A_135, %gather3A_309 : vector<16xf32>
        %add3A_311 = arith.addf %add3A_306, %mul3A_310 : vector<16xf32>
        %broadcast_in_dim3A_312 = arith.constant 37 : i32
        %broadcast_in_dim3A_313 = vector.broadcast %broadcast_in_dim3A_312 : i32 to vector<16xi32>
        %gather3A_314 = tpu.vector_load_idx %arg11[%add3A_116, %broadcast_in_dim3A_313] : memref<512x40xf32, #tpu.memory_space<vmem>>[vector<16xi32>, vector<16xi32>], vector<16xf32>,
        %mul3A_315 = arith.mulf %gather3A_138, %gather3A_314 : vector<16xf32>
        %add3A_316 = arith.addf %add3A_311, %mul3A_315 : vector<16xf32>
        %broadcast_in_dim3A_317 = arith.constant 3 : i32
        %broadcast_in_dim3A_318 = vector.broadcast %broadcast_in_dim3A_317 : i32 to vector<16xi32>
        tpu.vector_store_idx %arg12[%add3A_116, %broadcast_in_dim3A_318], %add3A_316 : memref<512x8xf32, #tpu.memory_space<vmem>>[vector<16xi32>, vector<16xi32>], vector<16xf32>,
      }
      %scan3A_108 = arith.constant 32 : i32
      %run_scoped3A = arith.constant 0 : i32
      "tpu.region"() ({
        %run_scoped3A_112 = tpu.sem_alloc : memref<!tpu.dma_semaphore, #tpu.memory_space<semaphore_mem>>
        %dma_start3A_113 = arith.constant 0 : i32
        %dma_start3A_114 = arith.constant 0 : i32
        %dma_start3A_115 = tpu.memref_slice %arg12[%dma_start3A_113, %dma_start3A_114] : memref<512x8xf32, #tpu.memory_space<vmem>> -> memref<128x8xf32, #tpu.memory_space<vmem>>
        %dma_start3A_116 = arith.constant 0 : i32
        %dma_start3A_117 = tpu.memref_slice %arg9[%run_scoped3A, %dma_start3A_116] : memref<4x128xi32, #tpu.memory_space<vmem>> -> memref<1x128xi32, #tpu.memory_space<vmem>>
        %dma_start3A_118 = tpu.memref_squeeze %dma_start3A_117 : memref<1x128xi32, #tpu.memory_space<vmem>> -> memref<128xi32, #tpu.memory_space<vmem>>
        %dma_start3A_119 = arith.constant 0 : i32
        %dma_start3A_120 = arith.constant 0 : i32
        %dma_start3A_121 = tpu.memref_slice %arg13[%dma_start3A_119, %dma_start3A_120] : memref<10240x8xf32, #tpu.memory_space<vmem_shared>> -> memref<10240x8xf32, #tpu.memory_space<vmem_shared>>
        tpu.enqueue_indirect_dma source(%dma_start3A_115 : memref<128x8xf32, #tpu.memory_space<vmem>>) target(%dma_start3A_121 : memref<10240x8xf32, #tpu.memory_space<vmem_shared>>) offsets(%dma_start3A_118 : memref<128xi32, #tpu.memory_space<vmem>>) semaphore(%run_scoped3A_112 : memref<!tpu.dma_semaphore, #tpu.memory_space<semaphore_mem>>) {add = true}
        %dma_wait3A_122 = arith.constant 0 : i32
        %dma_wait3A_123 = arith.constant 0 : i32
        %dma_wait3A_124 = tpu.memref_slice %arg12[%dma_wait3A_122, %dma_wait3A_123] : memref<512x8xf32, #tpu.memory_space<vmem>> -> memref<128x8xf32, #tpu.memory_space<vmem>>
        %dma_wait3A_125 = arith.constant 0 : i32
        %dma_wait3A_126 = tpu.memref_slice %arg9[%run_scoped3A, %dma_wait3A_125] : memref<4x128xi32, #tpu.memory_space<vmem>> -> memref<1x128xi32, #tpu.memory_space<vmem>>
        %dma_wait3A_127 = tpu.memref_squeeze %dma_wait3A_126 : memref<1x128xi32, #tpu.memory_space<vmem>> -> memref<128xi32, #tpu.memory_space<vmem>>
        %dma_wait3A_128 = arith.constant 0 : i32
        %dma_wait3A_129 = arith.constant 0 : i32
        %dma_wait3A_130 = tpu.memref_slice %arg13[%dma_wait3A_128, %dma_wait3A_129] : memref<10240x8xf32, #tpu.memory_space<vmem_shared>> -> memref<10240x8xf32, #tpu.memory_space<vmem_shared>>
        tpu.wait_indirect_dma semaphore(%run_scoped3A_112 : memref<!tpu.dma_semaphore, #tpu.memory_space<semaphore_mem>>) src(%dma_wait3A_124 : memref<128x8xf32, #tpu.memory_space<vmem>>) dst(%dma_wait3A_130 : memref<10240x8xf32, #tpu.memory_space<vmem_shared>>)
        tpu.yield
      }) : () -> ()
      %run_scoped3A_109 = arith.constant 1 : i32
      "tpu.region"() ({
        %run_scoped3A_112 = tpu.sem_alloc : memref<!tpu.dma_semaphore, #tpu.memory_space<semaphore_mem>>
        %dma_start3A_113 = arith.constant 128 : i32
        %dma_start3A_114 = arith.constant 0 : i32
        %dma_start3A_115 = tpu.memref_slice %arg12[%dma_start3A_113, %dma_start3A_114] : memref<512x8xf32, #tpu.memory_space<vmem>> -> memref<128x8xf32, #tpu.memory_space<vmem>>
        %dma_start3A_116 = arith.constant 0 : i32
        %dma_start3A_117 = tpu.memref_slice %arg9[%run_scoped3A_109, %dma_start3A_116] : memref<4x128xi32, #tpu.memory_space<vmem>> -> memref<1x128xi32, #tpu.memory_space<vmem>>
        %dma_start3A_118 = tpu.memref_squeeze %dma_start3A_117 : memref<1x128xi32, #tpu.memory_space<vmem>> -> memref<128xi32, #tpu.memory_space<vmem>>
        %dma_start3A_119 = arith.constant 0 : i32
        %dma_start3A_120 = arith.constant 0 : i32
        %dma_start3A_121 = tpu.memref_slice %arg13[%dma_start3A_119, %dma_start3A_120] : memref<10240x8xf32, #tpu.memory_space<vmem_shared>> -> memref<10240x8xf32, #tpu.memory_space<vmem_shared>>
        tpu.enqueue_indirect_dma source(%dma_start3A_115 : memref<128x8xf32, #tpu.memory_space<vmem>>) target(%dma_start3A_121 : memref<10240x8xf32, #tpu.memory_space<vmem_shared>>) offsets(%dma_start3A_118 : memref<128xi32, #tpu.memory_space<vmem>>) semaphore(%run_scoped3A_112 : memref<!tpu.dma_semaphore, #tpu.memory_space<semaphore_mem>>) {add = true}
        %dma_wait3A_122 = arith.constant 128 : i32
        %dma_wait3A_123 = arith.constant 0 : i32
        %dma_wait3A_124 = tpu.memref_slice %arg12[%dma_wait3A_122, %dma_wait3A_123] : memref<512x8xf32, #tpu.memory_space<vmem>> -> memref<128x8xf32, #tpu.memory_space<vmem>>
        %dma_wait3A_125 = arith.constant 0 : i32
        %dma_wait3A_126 = tpu.memref_slice %arg9[%run_scoped3A_109, %dma_wait3A_125] : memref<4x128xi32, #tpu.memory_space<vmem>> -> memref<1x128xi32, #tpu.memory_space<vmem>>
        %dma_wait3A_127 = tpu.memref_squeeze %dma_wait3A_126 : memref<1x128xi32, #tpu.memory_space<vmem>> -> memref<128xi32, #tpu.memory_space<vmem>>
        %dma_wait3A_128 = arith.constant 0 : i32
        %dma_wait3A_129 = arith.constant 0 : i32
        %dma_wait3A_130 = tpu.memref_slice %arg13[%dma_wait3A_128, %dma_wait3A_129] : memref<10240x8xf32, #tpu.memory_space<vmem_shared>> -> memref<10240x8xf32, #tpu.memory_space<vmem_shared>>
        tpu.wait_indirect_dma semaphore(%run_scoped3A_112 : memref<!tpu.dma_semaphore, #tpu.memory_space<semaphore_mem>>) src(%dma_wait3A_124 : memref<128x8xf32, #tpu.memory_space<vmem>>) dst(%dma_wait3A_130 : memref<10240x8xf32, #tpu.memory_space<vmem_shared>>)
        tpu.yield
      }) : () -> ()
      %run_scoped3A_110 = arith.constant 2 : i32
      "tpu.region"() ({
        %run_scoped3A_112 = tpu.sem_alloc : memref<!tpu.dma_semaphore, #tpu.memory_space<semaphore_mem>>
        %dma_start3A_113 = arith.constant 256 : i32
        %dma_start3A_114 = arith.constant 0 : i32
        %dma_start3A_115 = tpu.memref_slice %arg12[%dma_start3A_113, %dma_start3A_114] : memref<512x8xf32, #tpu.memory_space<vmem>> -> memref<128x8xf32, #tpu.memory_space<vmem>>
        %dma_start3A_116 = arith.constant 0 : i32
        %dma_start3A_117 = tpu.memref_slice %arg9[%run_scoped3A_110, %dma_start3A_116] : memref<4x128xi32, #tpu.memory_space<vmem>> -> memref<1x128xi32, #tpu.memory_space<vmem>>
        %dma_start3A_118 = tpu.memref_squeeze %dma_start3A_117 : memref<1x128xi32, #tpu.memory_space<vmem>> -> memref<128xi32, #tpu.memory_space<vmem>>
        %dma_start3A_119 = arith.constant 0 : i32
        %dma_start3A_120 = arith.constant 0 : i32
        %dma_start3A_121 = tpu.memref_slice %arg13[%dma_start3A_119, %dma_start3A_120] : memref<10240x8xf32, #tpu.memory_space<vmem_shared>> -> memref<10240x8xf32, #tpu.memory_space<vmem_shared>>
        tpu.enqueue_indirect_dma source(%dma_start3A_115 : memref<128x8xf32, #tpu.memory_space<vmem>>) target(%dma_start3A_121 : memref<10240x8xf32, #tpu.memory_space<vmem_shared>>) offsets(%dma_start3A_118 : memref<128xi32, #tpu.memory_space<vmem>>) semaphore(%run_scoped3A_112 : memref<!tpu.dma_semaphore, #tpu.memory_space<semaphore_mem>>) {add = true}
        %dma_wait3A_122 = arith.constant 256 : i32
        %dma_wait3A_123 = arith.constant 0 : i32
        %dma_wait3A_124 = tpu.memref_slice %arg12[%dma_wait3A_122, %dma_wait3A_123] : memref<512x8xf32, #tpu.memory_space<vmem>> -> memref<128x8xf32, #tpu.memory_space<vmem>>
        %dma_wait3A_125 = arith.constant 0 : i32
        %dma_wait3A_126 = tpu.memref_slice %arg9[%run_scoped3A_110, %dma_wait3A_125] : memref<4x128xi32, #tpu.memory_space<vmem>> -> memref<1x128xi32, #tpu.memory_space<vmem>>
        %dma_wait3A_127 = tpu.memref_squeeze %dma_wait3A_126 : memref<1x128xi32, #tpu.memory_space<vmem>> -> memref<128xi32, #tpu.memory_space<vmem>>
        %dma_wait3A_128 = arith.constant 0 : i32
        %dma_wait3A_129 = arith.constant 0 : i32
        %dma_wait3A_130 = tpu.memref_slice %arg13[%dma_wait3A_128, %dma_wait3A_129] : memref<10240x8xf32, #tpu.memory_space<vmem_shared>> -> memref<10240x8xf32, #tpu.memory_space<vmem_shared>>
        tpu.wait_indirect_dma semaphore(%run_scoped3A_112 : memref<!tpu.dma_semaphore, #tpu.memory_space<semaphore_mem>>) src(%dma_wait3A_124 : memref<128x8xf32, #tpu.memory_space<vmem>>) dst(%dma_wait3A_130 : memref<10240x8xf32, #tpu.memory_space<vmem_shared>>)
        tpu.yield
      }) : () -> ()
      %run_scoped3A_111 = arith.constant 3 : i32
      "tpu.region"() ({
        %run_scoped3A_112 = tpu.sem_alloc : memref<!tpu.dma_semaphore, #tpu.memory_space<semaphore_mem>>
        %dma_start3A_113 = arith.constant 384 : i32
        %dma_start3A_114 = arith.constant 0 : i32
        %dma_start3A_115 = tpu.memref_slice %arg12[%dma_start3A_113, %dma_start3A_114] : memref<512x8xf32, #tpu.memory_space<vmem>> -> memref<128x8xf32, #tpu.memory_space<vmem>>
        %dma_start3A_116 = arith.constant 0 : i32
        %dma_start3A_117 = tpu.memref_slice %arg9[%run_scoped3A_111, %dma_start3A_116] : memref<4x128xi32, #tpu.memory_space<vmem>> -> memref<1x128xi32, #tpu.memory_space<vmem>>
        %dma_start3A_118 = tpu.memref_squeeze %dma_start3A_117 : memref<1x128xi32, #tpu.memory_space<vmem>> -> memref<128xi32, #tpu.memory_space<vmem>>
        %dma_start3A_119 = arith.constant 0 : i32
        %dma_start3A_120 = arith.constant 0 : i32
        %dma_start3A_121 = tpu.memref_slice %arg13[%dma_start3A_119, %dma_start3A_120] : memref<10240x8xf32, #tpu.memory_space<vmem_shared>> -> memref<10240x8xf32, #tpu.memory_space<vmem_shared>>
        tpu.enqueue_indirect_dma source(%dma_start3A_115 : memref<128x8xf32, #tpu.memory_space<vmem>>) target(%dma_start3A_121 : memref<10240x8xf32, #tpu.memory_space<vmem_shared>>) offsets(%dma_start3A_118 : memref<128xi32, #tpu.memory_space<vmem>>) semaphore(%run_scoped3A_112 : memref<!tpu.dma_semaphore, #tpu.memory_space<semaphore_mem>>) {add = true}
        %dma_wait3A_122 = arith.constant 384 : i32
        %dma_wait3A_123 = arith.constant 0 : i32
        %dma_wait3A_124 = tpu.memref_slice %arg12[%dma_wait3A_122, %dma_wait3A_123] : memref<512x8xf32, #tpu.memory_space<vmem>> -> memref<128x8xf32, #tpu.memory_space<vmem>>
        %dma_wait3A_125 = arith.constant 0 : i32
        %dma_wait3A_126 = tpu.memref_slice %arg9[%run_scoped3A_111, %dma_wait3A_125] : memref<4x128xi32, #tpu.memory_space<vmem>> -> memref<1x128xi32, #tpu.memory_space<vmem>>
        %dma_wait3A_127 = tpu.memref_squeeze %dma_wait3A_126 : memref<1x128xi32, #tpu.memory_space<vmem>> -> memref<128xi32, #tpu.memory_space<vmem>>
        %dma_wait3A_128 = arith.constant 0 : i32
        %dma_wait3A_129 = arith.constant 0 : i32
        %dma_wait3A_130 = tpu.memref_slice %arg13[%dma_wait3A_128, %dma_wait3A_129] : memref<10240x8xf32, #tpu.memory_space<vmem_shared>> -> memref<10240x8xf32, #tpu.memory_space<vmem_shared>>
        tpu.wait_indirect_dma semaphore(%run_scoped3A_112 : memref<!tpu.dma_semaphore, #tpu.memory_space<semaphore_mem>>) src(%dma_wait3A_124 : memref<128x8xf32, #tpu.memory_space<vmem>>) dst(%dma_wait3A_130 : memref<10240x8xf32, #tpu.memory_space<vmem_shared>>)
        tpu.yield
      }) : () -> ()
    }
    %scan3A_13 = arith.constant 10 : i32
    %barrier3A_14 = arith.constant 0 : index
    tpu.barrier barrier_id(%barrier3A_14)
    "tpu.region"() ({
      %run_scoped3A = tpu.sem_alloc : memref<!tpu.dma_semaphore, #tpu.memory_space<semaphore_mem>>
      %dma_start3A = arith.constant 0 : i32
      %dma_start3A_15 = tpu.memref_slice %arg7[%arg0, %mul3A_2, %dma_start3A] : memref<2x10240x8xf32, #tpu.memory_space<hbm>> -> memref<1x640x8xf32, #tpu.memory_space<hbm>>
      %dma_start3A_16 = tpu.memref_squeeze %dma_start3A_15 : memref<1x640x8xf32, #tpu.memory_space<hbm>> -> memref<640x8xf32, #tpu.memory_space<hbm>>
      %dma_start3A_17 = arith.constant 0 : i32
      %dma_start3A_18 = tpu.memref_slice %arg13[%mul3A_2, %dma_start3A_17] : memref<10240x8xf32, #tpu.memory_space<vmem_shared>> -> memref<640x8xf32, #tpu.memory_space<vmem_shared>>
      tpu.enqueue_dma source(%dma_start3A_18 : memref<640x8xf32, #tpu.memory_space<vmem_shared>>) target(%dma_start3A_16 : memref<640x8xf32, #tpu.memory_space<hbm>>) target_semaphore(%run_scoped3A : memref<!tpu.dma_semaphore, #tpu.memory_space<semaphore_mem>>)
      %dma_wait3A = arith.constant 0 : i32
      %dma_wait3A_19 = tpu.memref_slice %arg7[%arg0, %mul3A_2, %dma_wait3A] : memref<2x10240x8xf32, #tpu.memory_space<hbm>> -> memref<1x640x8xf32, #tpu.memory_space<hbm>>
      %dma_wait3A_20 = tpu.memref_squeeze %dma_wait3A_19 : memref<1x640x8xf32, #tpu.memory_space<hbm>> -> memref<640x8xf32, #tpu.memory_space<hbm>>
      %dma_wait3A_21 = arith.constant 0 : i32
      %dma_wait3A_22 = tpu.memref_slice %arg13[%mul3A_2, %dma_wait3A_21] : memref<10240x8xf32, #tpu.memory_space<vmem_shared>> -> memref<640x8xf32, #tpu.memory_space<vmem_shared>>
      tpu.wait_dma2 semaphore(%run_scoped3A : memref<!tpu.dma_semaphore, #tpu.memory_space<semaphore_mem>>) src(%dma_wait3A_22 : memref<640x8xf32, #tpu.memory_space<vmem_shared>>) dst(%dma_wait3A_20 : memref<640x8xf32, #tpu.memory_space<hbm>>)
      tpu.yield
    }) : () -> ()
    return
  }
}

module attributes {stable_mosaic.version = 14 : i64} {
  func.func @_precompute_body(%arg0: i32, %arg1: memref<1024x128xf32, #tpu.memory_space<vmem>>, %arg2: memref<128x40xf32, #tpu.memory_space<vmem>>, %arg3: memref<128x4xf32, #tpu.memory_space<vmem>>, %arg4: memref<1024x40xf32, #tpu.memory_space<vmem>>, %arg5: memref<1024x4xf32, #tpu.memory_space<vmem>>) attributes {dimension_semantics = [#tpu.dimension_semantics<arbitrary>], iteration_bounds = array<i64: 10>, scalar_prefetch = 0 : i64, scratch_operands = 0 : i64, tpu.core_type = #tpu.core_type<tc>, window_params = [{transform_indices = @transform_0, window_bounds = array<i64: 1024, 128>}, {pipeline_mode = #tpu.pipeline_mode<synchronous>, transform_indices = @transform_1, window_bounds = array<i64: 128, 40>}, {pipeline_mode = #tpu.pipeline_mode<synchronous>, transform_indices = @transform_2, window_bounds = array<i64: 128, 4>}, {transform_indices = @transform_3, window_bounds = array<i64: 1024, 40>}, {transform_indices = @transform_4, window_bounds = array<i64: 1024, 4>}]} {
    %get3A = arith.constant 0 : index
    %get3A_0 = arith.constant 0 : index
    %get3A_1 = vector.load %arg1[%get3A, %get3A_0] : memref<1024x128xf32, #tpu.memory_space<vmem>>, vector<1024x128xf32>
    %get3A_2 = arith.constant 0 : index
    %get3A_3 = arith.constant 0 : index
    %get3A_4 = vector.load %arg2[%get3A_2, %get3A_3] : memref<128x40xf32, #tpu.memory_space<vmem>>, vector<128x40xf32>
    %dot_general3A = arith.constant dense<0.000000e+00> : vector<1024x40xf32>
    %dot_general3A_5 = tpu.matmul %get3A_1, %get3A_4, %dot_general3A {dimension_numbers = #tpu.dot_dimension_numbers<[1], [0], [0], [1], [0, 0, 1, 1], [], []>, transpose_lhs_hint = false} : vector<1024x128xf32>, vector<128x40xf32>, vector<1024x40xf32> -> vector<1024x40xf32>
    %swap3A = arith.constant 0 : index
    %swap3A_6 = arith.constant 0 : index
    %swap3A_7 = vector.load %arg4[%swap3A, %swap3A_6] : memref<1024x40xf32, #tpu.memory_space<vmem>>, vector<1024x40xf32>
    tpu.vector_store %arg4[%swap3A, %swap3A_6], %dot_general3A_5 {strides = array<i32>} : memref<1024x40xf32, #tpu.memory_space<vmem>>, vector<1024x40xf32>,
    %get3A_8 = arith.constant 0 : index
    %get3A_9 = arith.constant 0 : index
    %get3A_10 = vector.load %arg3[%get3A_8, %get3A_9] : memref<128x4xf32, #tpu.memory_space<vmem>>, vector<128x4xf32>
    %dot_general3A_11 = arith.constant dense<0.000000e+00> : vector<1024x4xf32>
    %dot_general3A_12 = tpu.matmul %get3A_1, %get3A_10, %dot_general3A_11 {dimension_numbers = #tpu.dot_dimension_numbers<[1], [0], [0], [1], [0, 0, 1, 1], [], []>, transpose_lhs_hint = false} : vector<1024x128xf32>, vector<128x4xf32>, vector<1024x4xf32> -> vector<1024x4xf32>
    %swap3A_13 = arith.constant 0 : index
    %swap3A_14 = arith.constant 0 : index
    %swap3A_15 = vector.load %arg5[%swap3A_13, %swap3A_14] : memref<1024x4xf32, #tpu.memory_space<vmem>>, vector<1024x4xf32>
    tpu.vector_store %arg5[%swap3A_13, %swap3A_14], %dot_general3A_12 {strides = array<i32>} : memref<1024x4xf32, #tpu.memory_space<vmem>>, vector<1024x4xf32>,
    return
  }
  func.func @transform_0(%arg0: i32) -> (i32, i32) {
    %c0_i32 = arith.constant 0 : i32
    %c0_i32_0 = arith.constant 0 : i32
    return %arg0, %c0_i32 : i32, i32
  }
  func.func @transform_1(%arg0: i32) -> (i32, i32) {
    %c0_i32 = arith.constant 0 : i32
    %c0_i32_0 = arith.constant 0 : i32
    %c0_i32_1 = arith.constant 0 : i32
    return %c0_i32, %c0_i32_0 : i32, i32
  }
  func.func @transform_2(%arg0: i32) -> (i32, i32) {
    %c0_i32 = arith.constant 0 : i32
    %c0_i32_0 = arith.constant 0 : i32
    %c0_i32_1 = arith.constant 0 : i32
    return %c0_i32, %c0_i32_0 : i32, i32
  }
  func.func @transform_3(%arg0: i32) -> (i32, i32) {
    %c0_i32 = arith.constant 0 : i32
    %c0_i32_0 = arith.constant 0 : i32
    return %arg0, %c0_i32 : i32, i32
  }
  func.func @transform_4(%arg0: i32) -> (i32, i32) {
    %c0_i32 = arith.constant 0 : i32
    %c0_i32_0 = arith.constant 0 : i32
    return %arg0, %c0_i32 : i32, i32
  }
}

module attributes {stable_mosaic.version = 14 : i64} {
  func.func @_edge_mlp_body(%arg0: i32, %arg1: memref<2048x16xf32, #tpu.memory_space<vmem>>, %arg2: memref<16x8xf32, #tpu.memory_space<vmem>>, %arg3: memref<8x8xf32, #tpu.memory_space<vmem>>, %arg4: memref<2048x8xf32, #tpu.memory_space<vmem>>) attributes {dimension_semantics = [#tpu.dimension_semantics<arbitrary>], iteration_bounds = array<i64: 80>, scalar_prefetch = 0 : i64, scratch_operands = 0 : i64, tpu.core_type = #tpu.core_type<tc>, window_params = [{transform_indices = @transform_0, window_bounds = array<i64: 2048, 16>}, {pipeline_mode = #tpu.pipeline_mode<synchronous>, transform_indices = @transform_1, window_bounds = array<i64: 16, 8>}, {pipeline_mode = #tpu.pipeline_mode<synchronous>, transform_indices = @transform_2, window_bounds = array<i64: 8, 8>}, {transform_indices = @transform_3, window_bounds = array<i64: 2048, 8>}]} {
    %get3A = arith.constant 0 : index
    %get3A_0 = arith.constant 0 : index
    %get3A_1 = vector.load %arg1[%get3A, %get3A_0] : memref<2048x16xf32, #tpu.memory_space<vmem>>, vector<2048x16xf32>
    %get3A_2 = arith.constant 0 : index
    %get3A_3 = arith.constant 0 : index
    %get3A_4 = vector.load %arg2[%get3A_2, %get3A_3] : memref<16x8xf32, #tpu.memory_space<vmem>>, vector<16x8xf32>
    %dot_general3A = arith.constant dense<0.000000e+00> : vector<2048x8xf32>
    %dot_general3A_5 = tpu.matmul %get3A_1, %get3A_4, %dot_general3A {dimension_numbers = #tpu.dot_dimension_numbers<[1], [0], [0], [1], [0, 0, 1, 1], [], []>, transpose_lhs_hint = false} : vector<2048x16xf32>, vector<16x8xf32>, vector<2048x8xf32> -> vector<2048x8xf32>
    %get3A_6 = arith.constant 0 : index
    %get3A_7 = arith.constant 0 : index
    %get3A_8 = vector.load %arg3[%get3A_6, %get3A_7] : memref<8x8xf32, #tpu.memory_space<vmem>>, vector<8x8xf32>
    %slice3A = vector.extract_strided_slice %get3A_8 {offsets = [0, 0], sizes = [1, 8], strides = [1, 1]} : vector<8x8xf32> to vector<1x8xf32>
    %add3A = vector.broadcast %slice3A : vector<1x8xf32> to vector<2048x8xf32>
    %add3A_9 = arith.addf %dot_general3A_5, %add3A : vector<2048x8xf32>
    %max3A = arith.constant 0.000000e+00 : f32
    %max3A_10 = vector.broadcast %max3A : f32 to vector<2048x8xf32>
    %max3A_11 = arith.maximumf %add3A_9, %max3A_10 : vector<2048x8xf32>
    %swap3A = arith.constant 0 : index
    %swap3A_12 = arith.constant 0 : index
    %swap3A_13 = vector.load %arg4[%swap3A, %swap3A_12] : memref<2048x8xf32, #tpu.memory_space<vmem>>, vector<2048x8xf32>
    tpu.vector_store %arg4[%swap3A, %swap3A_12], %max3A_11 {strides = array<i32>} : memref<2048x8xf32, #tpu.memory_space<vmem>>, vector<2048x8xf32>,
    return
  }
  func.func @transform_0(%arg0: i32) -> (i32, i32) {
    %c0_i32 = arith.constant 0 : i32
    %c0_i32_0 = arith.constant 0 : i32
    return %arg0, %c0_i32 : i32, i32
  }
  func.func @transform_1(%arg0: i32) -> (i32, i32) {
    %c0_i32 = arith.constant 0 : i32
    %c0_i32_0 = arith.constant 0 : i32
    %c0_i32_1 = arith.constant 0 : i32
    return %c0_i32, %c0_i32_0 : i32, i32
  }
  func.func @transform_2(%arg0: i32) -> (i32, i32) {
    %c0_i32 = arith.constant 0 : i32
    %c0_i32_0 = arith.constant 0 : i32
    %c0_i32_1 = arith.constant 0 : i32
    return %c0_i32, %c0_i32_0 : i32, i32
  }
  func.func @transform_3(%arg0: i32) -> (i32, i32) {
    %c0_i32 = arith.constant 0 : i32
    %c0_i32_0 = arith.constant 0 : i32
    return %arg0, %c0_i32 : i32, i32
  }
}

module attributes {stable_mosaic.version = 14 : i64} {
  func.func @combine_body(%arg0: memref<10240x8xf32, #tpu.memory_space<vmem>>, %arg1: memref<10240x8xf32, #tpu.memory_space<vmem>>, %arg2: memref<10240x4xf32, #tpu.memory_space<vmem>>, %arg3: memref<8x4xf32, #tpu.memory_space<vmem>>, %arg4: memref<4x4xf32, #tpu.memory_space<vmem>>, %arg5: memref<8x4xf32, #tpu.memory_space<vmem>>, %arg6: memref<1x4xf32, #tpu.memory_space<vmem>>) attributes {dimension_semantics = [], scalar_prefetch = 0 : i64, scratch_operands = 0 : i64, tpu.core_type = #tpu.core_type<tc>} {
    %get3A = arith.constant 0 : index
    %get3A_0 = arith.constant 0 : index
    %get3A_1 = vector.load %arg0[%get3A, %get3A_0] : memref<10240x8xf32, #tpu.memory_space<vmem>>, vector<10240x8xf32>
    %get3A_2 = arith.constant 0 : index
    %get3A_3 = arith.constant 0 : index
    %get3A_4 = vector.load %arg1[%get3A_2, %get3A_3] : memref<10240x8xf32, #tpu.memory_space<vmem>>, vector<10240x8xf32>
    %slice3A = vector.extract_strided_slice %get3A_1 {offsets = [0, 0], sizes = [10240, 4], strides = [1, 1]} : vector<10240x8xf32> to vector<10240x4xf32>
    %slice3A_5 = vector.extract_strided_slice %get3A_4 {offsets = [0, 0], sizes = [10240, 4], strides = [1, 1]} : vector<10240x8xf32> to vector<10240x4xf32>
    %add3A = arith.addf %slice3A, %slice3A_5 : vector<10240x4xf32>
    %slice3A_6 = vector.extract_strided_slice %get3A_1 {offsets = [0, 4], sizes = [10240, 1], strides = [1, 1]} : vector<10240x8xf32> to vector<10240x1xf32>
    %slice3A_7 = vector.extract_strided_slice %get3A_4 {offsets = [0, 4], sizes = [10240, 1], strides = [1, 1]} : vector<10240x8xf32> to vector<10240x1xf32>
    %add3A_8 = arith.addf %slice3A_6, %slice3A_7 : vector<10240x1xf32>
    %max3A = arith.constant 1.000000e+00 : f32
    %max3A_9 = vector.broadcast %max3A : f32 to vector<10240x1xf32>
    %max3A_10 = arith.maximumf %add3A_8, %max3A_9 : vector<10240x1xf32>
    %div3A = vector.broadcast %max3A_10 : vector<10240x1xf32> to vector<10240x4xf32>
    %div3A_11 = arith.divf %add3A, %div3A : vector<10240x4xf32>
    %get3A_12 = arith.constant 0 : index
    %get3A_13 = arith.constant 0 : index
    %get3A_14 = vector.load %arg2[%get3A_12, %get3A_13] : memref<10240x4xf32, #tpu.memory_space<vmem>>, vector<10240x4xf32>
    %add3A_15 = arith.addf %div3A_11, %get3A_14 : vector<10240x4xf32>
    %get3A_16 = arith.constant 0 : index
    %get3A_17 = arith.constant 0 : index
    %get3A_18 = vector.load %arg3[%get3A_16, %get3A_17] : memref<8x4xf32, #tpu.memory_space<vmem>>, vector<8x4xf32>
    %slice3A_19 = vector.extract_strided_slice %get3A_18 {offsets = [0, 0], sizes = [1, 4], strides = [1, 1]} : vector<8x4xf32> to vector<1x4xf32>
    %add3A_20 = vector.broadcast %slice3A_19 : vector<1x4xf32> to vector<10240x4xf32>
    %add3A_21 = arith.addf %add3A_15, %add3A_20 : vector<10240x4xf32>
    %max3A_22 = arith.constant 0.000000e+00 : f32
    %max3A_23 = vector.broadcast %max3A_22 : f32 to vector<10240x4xf32>
    %max3A_24 = arith.maximumf %add3A_21, %max3A_23 : vector<10240x4xf32>
    %iota3A = tpu.iota {dimensions = array<i32: 0>} : vector<10240x1xi32>
    %lt3A = arith.constant 10000 : i32
    %lt3A_25 = vector.broadcast %lt3A : i32 to vector<10240x1xi32>
    %lt3A_26 = arith.cmpi slt, %iota3A, %lt3A_25 : vector<10240x1xi32>
    %jit3A = arith.constant 0.000000e+00 : f32
    %broadcast_in_dim3A = vector.shape_cast %lt3A_26 : vector<10240x1xi1> to vector<10240x1xi1>
    %broadcast_in_dim3A_27 = vector.broadcast %broadcast_in_dim3A : vector<10240x1xi1> to vector<10240x4xi1>
    %broadcast_in_dim3A_28 = vector.broadcast %jit3A : f32 to vector<10240x4xf32>
    %select_n3A = arith.select %broadcast_in_dim3A_27, %max3A_24, %broadcast_in_dim3A_28 : vector<10240x4xi1>, vector<10240x4xf32>
    %get3A_29 = arith.constant 0 : index
    %get3A_30 = arith.constant 0 : index
    %get3A_31 = vector.load %arg4[%get3A_29, %get3A_30] : memref<4x4xf32, #tpu.memory_space<vmem>>, vector<4x4xf32>
    %dot_general3A = arith.constant dense<0.000000e+00> : vector<10240x4xf32>
    %dot_general3A_32 = tpu.matmul %select_n3A, %get3A_31, %dot_general3A {dimension_numbers = #tpu.dot_dimension_numbers<[1], [0], [0], [1], [0, 0, 1, 1], [], []>, transpose_lhs_hint = false} : vector<10240x4xf32>, vector<4x4xf32>, vector<10240x4xf32> -> vector<10240x4xf32>
    %reduce_sum3A = arith.constant dense<0.000000e+00> : vector<4xf32>
    %reduce_sum3A_33 = vector.multi_reduction <add>, %dot_general3A_32, %reduce_sum3A [0] : vector<10240x4xf32> to vector<4xf32>
    %broadcast_in_dim3A_34 = vector.shape_cast %reduce_sum3A_33 : vector<4xf32> to vector<1x4xf32>
    %div3A_35 = arith.constant 1.000000e+04 : f32
    %div3A_36 = vector.broadcast %div3A_35 : f32 to vector<1x4xf32>
    %div3A_37 = arith.divf %broadcast_in_dim3A_34, %div3A_36 : vector<1x4xf32>
    %get3A_38 = arith.constant 0 : index
    %get3A_39 = arith.constant 0 : index
    %get3A_40 = vector.load %arg5[%get3A_38, %get3A_39] : memref<8x4xf32, #tpu.memory_space<vmem>>, vector<8x4xf32>
    %slice3A_41 = vector.extract_strided_slice %get3A_40 {offsets = [0, 0], sizes = [1, 4], strides = [1, 1]} : vector<8x4xf32> to vector<1x4xf32>
    %add3A_42 = arith.addf %div3A_37, %slice3A_41 : vector<1x4xf32>
    %swap3A = arith.constant 0 : index
    %swap3A_43 = arith.constant 0 : index
    %swap3A_44 = vector.load %arg6[%swap3A, %swap3A_43] : memref<1x4xf32, #tpu.memory_space<vmem>>, vector<1x4xf32>
    tpu.vector_store %arg6[%swap3A, %swap3A_43], %add3A_42 {strides = array<i32>} : memref<1x4xf32, #tpu.memory_space<vmem>>, vector<1x4xf32>,
    return
  }
}

</mosaic_0001>

<sc_bundles>
// kernel: kernel.6.cloned.1.call-start
scs
__scs_entry_jumppad:
0x0: {  	(pc) =	sbr.rel $0x88, $3  }
0x1: {  	(tag) =	ssettag $0x0;
	lr =	simm.s32 $0x1  }
0x2: {  	[smem:$0x3F96] =	sst lr;
	_ =	strace $0xD0000000  }
0x3: {  	_ = 	snop  }
0x4: {  	_ = 	snop  }
0x5: {  	_ = 	snop  }
0x6: {  	_ = 	snop  }
0x7: {  	_ = 	snop  }
__scs_overlays_trampoline_lowered:
0x8: {  	[smem:$0x3FA5] =	sst s0  }
0x9: {  	[smem:$0x3FA6] =	sst s1  }
0xa: {  	[smem:$0x3FA7] =	sst s2  }
0xb: {  	[smem:$0x3FA8] =	sst s3  }
0xc: {  	[smem:$0x3FA9] =	sst s4  }
0xd: {  	[smem:$0x3FAA] =	sst s5  }
0xe: {  	[smem:$0x3FAB] =	sst s6  }
0xf: {  	[smem:$0x3FAC] =	sst s7  }
0x10: {  	[smem:$0x3FAD] =	sst s8  }
0x11: {  	[smem:$0x3FAE] =	sst s9;
	s0 =	simm.s32 @!p0 $0x0  }
0x12: {  	s1 =	sld [smem:$0x3F94];
	s0 =	simm.s32 @p0 $0x1  }
0x13: {  	[smem:$0x3FAF] =	sst s0;
	s0 =	simm.s32 @!p1 $0x0  }
0x14: {  	s2 =	sld [smem:$0x3F93];
	s0 =	simm.s32 @p1 $0x1  }
0x15: {  	[smem:$0x3FB0] =	sst s0;
	s0 =	simm.s32 @!p2 $0x0  }
0x16: {  	s3 =	sld [smem:$0x3FDB];
	s0 =	simm.s32 @p2 $0x1  }
0x17: {  	s4 =	simm.s32 $0x1BF5;
	[smem:$0x3FB2] =	sst s0  }
0x18: {  	s0 =	sld [smem:$0x3F95];
	_ =	swait.ge [sflag:s4], $0x0  }
0x19: {  	s7 =	sld [smem:$0x3F96]  }
0x1a: {  	s8 =	sadd.s32 $0xFFFFE003, lr  }
0x1b: {  	s9 =	sadd.s32 $0xFFFFFEF7, lr;
	s5 =	simm.s32 $0xFFFFFFFF;
	p2 =	slt.u32 s8, $0xFFFFF086  }
0x1c: {  	p1 =	slt.u32 s9, $0xF7A;
	s5 =	simm.s32 @!p2 $0x0  }
0x1d: {  	s5 =	simm.s32 @p1 $0x1;
	p0 =	seq.s32 s7, s2  }
0x1e: {  	s7 =	smul.u32 @!p0 $0xF7A, s2;
	p2 =	seq.s32 @!p0 s5, $0x0  }
0x1f: {  	s9 =	smul.u32 $0xF7A, s1;
	s8 =	simm.s32 @!p0 $0x1BF5;
	p2 =	por !p2, p0  }
0x20: {  	[sflag:s8] =	ssyncset.s32 @!p0 $0xFFFFF086;
	s6 =	sadd.s32 @!p0 s3, s7;
	s7 =	simm.s32 @!p0 $0x108  }
0x21: {  	s3 =	sadd.s32 s3, s9;
	s6 =	sadd.s32 @!p0 $0x88, s6;
	s7 =	simm.s32 @p2 $0x1082  }
0x22: {  	[simem:s7], [sflag:s8] =	dma.local @!p0 [hbm:s6], $0xF7A  }
0x23: {  	s9 =	sor.u32 $0xD0000000, s2;
	s6 =	simm.s32 $0x108;
	_ =	swait.ge @!p0 [sflag:s8], $0x0  }
0x24: {  	s3 =	sadd.s32 $0x88, s3;
	s6 =	simm.s32 @!p1 $0x1082;
	[sflag:s4] =	ssyncset.s32 $0xFFFFF086  }
0x25: {  	[simem:s6], [sflag:s4] =	dma.local [hbm:s3], $0xF7A  }
0x26: {  	[smem:$0x3F96] =	sst s1;
	(tag) =	ssettag s2;
	_ =	strace s9  }
0x27: {  	s1 =	sld [smem:$0x3FA6]  }
0x28: {  	s2 =	sld [smem:$0x3FA7]  }
0x29: {  	s4 =	sld [smem:$0x3FA9]  }
0x2a: {  	p0 =	seq.s32 s5, $0x0;
	s5 =	sld [smem:$0x3FAA]  }
0x2b: {  	s6 =	sld [smem:$0x3FAB]  }
0x2c: {  	s7 =	sld [smem:$0x3FAC]  }
0x2d: {  	s3 =	simm.s32 $0x108;
	s8 =	sld [smem:$0x3FAD]  }
0x2e: {  	s3 =	simm.s32 @!p0 $0x1082;
	s9 =	sld [smem:$0x3FAE]  }
0x2f: {  	lr =	sadd.s32 s0, s3;
	s0 =	sld [smem:$0x3FA5]  }
0x30: {  	s3 =	sld [smem:$0x3FA8]  }
0x31: {  	[smem:$0x3FB1] =	sst s10  }
0x32: {  	s10 =	sld [smem:$0x3FAF];
	_ =	sdelay $0x3  }
0x33: {  	p0 =	seq.s32 s10, $0x1;
	s10 =	sld [smem:$0x3FB1];
	_ =	sdelay $0x3  }
0x34: {  	[smem:$0x3FB1] =	sst s10  }
0x35: {  	s10 =	sld [smem:$0x3FB0];
	_ =	sdelay $0x3  }
0x36: {  	p1 =	seq.s32 s10, $0x1;
	s10 =	sld [smem:$0x3FB1];
	_ =	sdelay $0x3  }
0x37: {  	[smem:$0x3FB1] =	sst s10  }
0x38: {  	s10 =	sld [smem:$0x3FB2]  }
0x39: {  	_ = 	snop;
	(pc) =	sbr.ind lr, $3  }
0x3a: {  	_ = 	snop  }
0x3b: {  	_ = 	snop  }
0x3c: {  	p2 =	seq.s32 s10, $0x1;
	s10 =	sld [smem:$0x3FB1]  }
0x3d: {  	_ =	shalt  }
0x3e: {  	_ =	shalt  }
0x3f: {  	_ =	shalt  }
0x40: {  	_ =	shalt  }
0x41: {  	_ =	shalt  }
0x42: {  	_ =	shalt  }
0x43: {  	_ =	shalt  }
0x44: {  	_ =	shalt  }
0x45: {  	_ =	shalt  }
0x46: {  	_ =	shalt  }
0x47: {  	_ =	shalt  }
0x48: {  	_ =	shalt  }
0x49: {  	_ =	shalt  }
0x4a: {  	_ =	shalt  }
0x4b: {  	_ =	shalt  }
0x4c: {  	_ =	shalt  }
0x4d: {  	_ =	shalt  }
0x4e: {  	_ =	shalt  }
0x4f: {  	_ =	shalt  }
0x50: {  	_ =	shalt  }
0x51: {  	_ =	shalt  }
0x52: {  	_ =	shalt  }
0x53: {  	_ =	shalt  }
0x54: {  	_ =	shalt  }
0x55: {  	_ =	shalt  }
0x56: {  	_ =	shalt  }
0x57: {  	_ =	shalt  }
0x58: {  	_ =	shalt  }
0x59: {  	_ =	shalt  }
0x5a: {  	_ =	shalt  }
0x5b: {  	_ =	shalt  }
0x5c: {  	_ =	shalt  }
0x5d: {  	_ =	shalt  }
0x5e: {  	_ =	shalt  }
0x5f: {  	_ =	shalt  }
0x60: {  	_ =	shalt  }
0x61: {  	_ =	shalt  }
0x62: {  	_ =	shalt  }
0x63: {  	_ =	shalt  }
0x64: {  	_ =	shalt  }
0x65: {  	_ =	shalt  }
0x66: {  	_ =	shalt  }
0x67: {  	_ =	shalt  }
0x68: {  	_ =	shalt  }
0x69: {  	_ =	shalt  }
0x6a: {  	_ =	shalt  }
0x6b: {  	_ =	shalt  }
0x6c: {  	_ =	shalt  }
0x6d: {  	_ =	shalt  }
0x6e: {  	_ =	shalt  }
0x6f: {  	_ =	shalt  }
0x70: {  	_ =	shalt  }
0x71: {  	_ =	shalt  }
0x72: {  	_ =	shalt  }
0x73: {  	_ =	shalt  }
0x74: {  	_ =	shalt  }
0x75: {  	_ =	shalt  }
0x76: {  	_ =	shalt  }
0x77: {  	_ =	shalt  }
0x78: {  	_ =	shalt  }
0x79: {  	_ =	shalt  }
0x7a: {  	_ =	shalt  }
0x7b: {  	_ =	shalt  }
0x7c: {  	_ =	shalt  }
0x7d: {  	_ =	shalt  }
0x7e: {  	_ =	shalt  }
0x7f: {  	_ =	shalt  }
0x80: {  	_ =	shalt  }
0x81: {  	_ =	shalt  }
0x82: {  	_ =	shalt  }
0x83: {  	_ =	shalt  }
0x84: {  	_ =	shalt  }
0x85: {  	_ =	shalt  }
0x86: {  	_ =	shalt  }
0x87: {  	_ =	shalt  }
.Lfunc_end0:
.L_simem_size_0:
called_computation_lowered:
.L_overlay_start_0:
0x88: {  	s2 =	sld [smem:$0x3FD9]  }
0x89: {  	s3 =	sld [smem:$0x3FFE];
	_ =	sdelay $0x1  }
0x8a: {  	s1 =	srdreg.scid  }
0x8b: {  	s0 =	sand.u32 $0x1, s1  }
0x8c: {  	s16 =	sshll.u32 s0, $0xA;
	s2 =	sadd.s32 s3, s2  }
0x8d: {  	s2 =	sadd.s32 s2, s16  }
0x8e: {  	[smem:$0x3FBD] =	sst s2  }
0x8f: {  	_ = 	snop  }
0x90: {  	(tm) =	ssettm $0x1  }
0x91: {  	s17 =	sld [smem:$0x3FFB];
	_ =	sdelay $0x3  }
0x92: {  	_ =	strace s17  }
0x93: {  	s2 =	sld [smem:$0x3FFC];
	_ =	sdelay $0x3  }
0x94: {  	_ =	strace s2  }
0x95: {  	s2 =	sld [smem:$0x3FFD];
	_ =	sdelay $0x3  }
0x96: {  	_ =	strace s2  }
0x97: {  	_ =	strace $0x8FFFFFFF  }
0x98: {  	s18 =	sld [smem:$0x3FDB];
	_ =	sdelay $0x1  }
0x99: {  	s19 =	simm.s32 $_scs_section_size  }
0x9a: {  	s4 =	simm.s32 $_size__tile_overlayer_lowered;
	s5 =	simm.s32 $_tile_overlayer_lowered  }
0x9b: {  	s22 =	simm.s32 $0x1BFF;
	s21 =	sshll.u32 s5, $0x1;
	s2 =	sadd.s32 s19, s18  }
0x9c: {  	s6 =	simm.s32 $0x0;
	s20 =	sshll.u32 s4, $0x1;
	s4 =	sadd.s32 s21, s2  }
0x9d: {  	[timem:s6], [sflag:s22] =	dma.local [hbm:s4], s20  }
0x9e: {  	_ =	swait.ge [sflag:s22], s20  }
0x9f: {  	s3 =	ssub.s32 $0x0, s20;
	[sflag:s22] =	ssyncset.done $0x0  }
0xa0: {  	[sflag:s22] =	ssyncadd.s32 s3;
	_ =	sdelay $0x1  }
0xa1: {  	s23 =	simm.s32 $0x1B8B  }
0xa2: {  	_ =	swait.ge [sflag:s23], $0x1  }
0xa3: {  	[sflag:s23] =	ssyncset.done $0x0  }
0xa4: {  	s25 =	simm.s32 $0x1B8E;
	s24 =	sld [smem:$0x3FFE];
	[sflag:s23] =	ssyncadd.s32 $0xFFFFFFFF  }
0xa5: {  	s26 =	simm.s32 $execute0_lowered;
	[smem:$0x3FD2] =	sst s25  }
0xa6: {  	s4 =	sshll.u32 s26, $0x1;
	_ =	strace $0x80000046;
	[dreg:$0x1] =	wrdreg $0xFFFFFFFF  }
0xa7: {  	s28 =	simm.s32 $_size_execute0_lowered;
	s2 =	sadd.s32 s2, s4;
	[dreg:$0x0] =	wrdreg $0x0  }
0xa8: {  	s4 =	sshll.u32 s28, $0x1;
	[dreg:$0x2] =	wrdreg s2  }
0xa9: {  	[dreg:$0x3] =	wrdreg s4  }
0xaa: {  	[dreg:$0x4] =	wrdreg $0xC0  }
0xab: {  	_ =	task [dreg:s6], $0x5FFFF  }
0xac: {  	[dreg:$0x1] =	wrdreg $0xFFFFFFFF  }
0xad: {  	[dreg:$0x0] =	wrdreg $0x60  }
0xae: {  	[dreg:$0x2] =	wrdreg s24  }
0xaf: {  	[dreg:$0x3] =	wrdreg $0x74000  }
0xb0: {  	[dreg:$0x4] =	wrdreg $0x9  }
0xb1: {  	_ =	task.clear_ibuf [dreg:s6], $0x5FFFF;
	_ =	strace $0x90000046  }
0xb2: {  	s29 =	simm.s32 $0x9;
	_ =	strace $0x80000048  }
0xb3: {  	_ =	swait.ge [sflag:s29], $0x1  }
0xb4: {  	[sflag:s29] =	ssyncadd.s32 $0xFFFFFFFF  }
0xb5: {  	_ =	strace $0x90000048  }
0xb6: {  	_ =	sfence  }
0xb7: {  	s30 =	sld [smem:$0x0];
	_ =	sdelay $0x2  }
0xb8: {  	s31 =	sshll.u32 s1, $0xD;
	s1 =	sshrl.u32 s1, $0x2  }
0xb9: {  	s3 =	sand.u32 $0x4000, s31;
	s1 =	sadd.s32 s1, s30  }
0xba: {  	s0 =	sor.u32 s3, s0;
	s1 =	sshll.u32 s1, $0x11  }
0xbb: {  	s0 =	sor.u32 s1, s0  }
0xbc: {  	s0 =	sadd.s32 $0x8F2B, s0  }
0xbd: {  	[sflag:s0] =	ssyncadd.remote.s32 $0x1  }
0xbe: {  	_ =	sfence.sel $0xFFFF  }
0xbf: {  	[dreg:$0x0] =	wrdreg $0xFFFFFFFF;
	(pc) =	sbr.abs _section_cstart, $3  }
0xc0: {  	[dreg:$0x1] =	wrdreg $0xFFFFFFFF  }
0xc1: {  	_ =	task.clear_ibuf [dreg:s6], $0x2FFFF;
	_ =	strace $0x9FFFFFFF  }
0xc2: {  	(tm) =	ssettm $0x7FFFFFFF  }
0xc3: {  	_ =	shalt  }
tec
execute0_lowered:
.L_overlay_start_1:
0x0: {  	(tag) =	ssettag $0x1  }
0x1: {  	s0 =	rddreg [dreg:$0x0]  }
0x2: {  	s2 =	rddreg [dreg:$0x1];
	s1 =	simm.s32 $0x0;
	s13 =	stileid.u32  }
0x3: {  	s23 =	srdreg.scid;
	s14 =	simm.s32 $0x2;
	s15 =	simm.s32 $0x6400  }
0x4: {  	s16 =	simm.s32 $0x200;
	s17 =	simm.s32 $0x400;
	s18 =	simm.s32 $0x80  }
0x5: {  	s19 =	simm.s32 $0x1400;
	s20 =	simm.s32 $0x2800;
	s21 =	simm.s32 $0x100  }
0x6: {  	s22 =	simm.s32 $0x3C00;
	s28 =	simm.s32 $0x6800;
	s29 =	simm.s32 $0x300  }
0x7: {  	s30 =	simm.s32 $0x6C00;
	s31 =	simm.s32 $0x380;
	[smem:$0x7FF] =	sst s1  }
0x8: {  	s3 =	smul.u32 $0x1400, s13;
	s1 =	sand.u32 $0x1, s23;
	s4 =	sadd.s32 $0x2A400, s0  }
0x9: {  	s5 =	sadd.s32 $0x36C00, s0;
	s6 =	sadd.s32 $0x5EC00, s0;
	s7 =	sadd.s32 $0x63C00, s0  }
0xa: {  	s12 =	sshll.u32 s13, $0x1;
	s25 =	sshll.u32 s13, $0x6;
	s23 =	simm.s32 $0x180  }
0xb: {  	_ =	strace $0x80000047;
	s8 =	smul.u32 $0x14000, s1;
	s10 =	ssub.s32 $0x2, s1  }
0xc: {  	s1 =	sor.u32 s1, s12;
	s9 =	sshrl.u32 s3, $0x3;
	s11 =	sshrl.u32 s10, $0x1  }
0xd: {  	s9 =	sadd.s32 s9, s0;
	s8 =	sadd.s32 s3, s8;
	s24 =	ssub.s32 s10, s11  }
0xe: {  	s3 =	sadd.s32 s3, s2;
	s10 =	smul.u32 $0xA, s1;
	s1 =	simm.s32 $0x0  }
0xf: {  	s8 =	sshrl.u32 s8, $0x3;
	s9 =	sadd.s32 $0x68C00, s9;
	s26 =	smax.u32 s24, $0x1  }
0x10: {  	s24 =	simm.s32 $0x5000;
	s0 =	sadd.s32 s8, s0;
	[dreg:$0x3] =	wrdreg s9  }
0x11: {  	s9 =	sor.u32 $0x1C02, s25;
	[dreg:$0x5] =	wrdreg s26;
	s8 =	sshrl.u32 s3, $0x3  }
0x12: {  	v0 =	vlaneseq.u32;
	s25 =	simm.s32 $0x1;
	s0 =	sadd.s32 $0x6B400, s0;
	[dreg:$0x6] =	wrdreg s8  }
0x13: {  	v2 =	vimm.f32 $1.000000000e+00;
	v3 =	vimm.f32 $0.0e+00;
	v1 =	vmul.u32 $0x8, v0;
	s26 =	simm.s32 $0x280;
	[dreg:$0x4] =	wrdreg s0;
	s0 =	simm.s32 $0x7000  }
.LBB2_1:
0x14: {  	s3 =	simm.s32 $0x0  }
0x15: {  	v4 =	vmov s3  }
0x16: {  	v4 =	vshll.u32 v4, $0x3  }
0x17: {  	v5 =	vor.u32 v1, v4  }
0x18: {  	s11 =	rddreg [dreg:$0x3];
	v6 =	vor.u32 $0x4, v5  }
0x19: {  	[spmem:s8], [sflag:s9] =	dma.local [hbm:s11], $0x280  }
0x1a: {  	_ =	swait.ge [sflag:s14], $0x280  }
0x1b: {  	s12 =	simm.s32 $0x10;
	[sflag:s14] =	ssyncset.done $0x0  }
0x1c: {  	v4 =	vmov s12;
	v8 =	vor.u32 $0x5, v5;
	[sflag:s14] =	ssyncadd.s32 $0xFFFFFD80  }
0x1d: {  	v4 =	vshll.u32 v4, $0x3;
	[tilespmem:v6+s15+$0x0] =	vst.idx.msk $0xffff, v2;
	v6 =	vor.u32 $0x6, v5  }
0x1e: {  	v4 =	vor.u32 v1, v4;
	v5 =	vor.u32 $0x7, v5  }
0x1f: {  	v7 =	vor.u32 $0x4, v4;
	_ =	sdelay $0x1  }
0x20: {  	s13 =	smov.u32 s9;
	s3 =	simm.s32 $0x20;
	[tilespmem:v8+s15+$0x0] =	vst.idx.msk $0xffff, v3  }
.LBB2_2:
0x21: {  	v8 =	vmov s3;
	v9 =	vor.u32 $0x5, v4;
	[tilespmem:v6+s15+$0x0] =	vst.idx.msk $0xffff, v3;
	p0 =	sne.s32 s3, $0x1F0  }
.Ltmp0:
0x22: {  	v6 =	vor.u32 $0x6, v4;
	v8 =	vshll.u32 v8, $0x3;
	[tilespmem:v5+s15+$0x0] =	vst.idx.msk $0xffff, v3;
	(pc) =	sbr.rel @p0 .LBB2_2-.Ltmp0, $3  }
0x23: {  	v5 =	vor.u32 $0x7, v4;
	[tilespmem:v7+s15+$0x0] =	vst.idx.msk $0xffff, v2;
	v4 =	vor.u32 v1, v8  }
0x24: {  	v7 =	vor.u32 $0x4, v4;
	_ =	sdelay $0x1  }
0x25: {  	s3 =	sadd.s32 $0x10, s3;
	[tilespmem:v9+s15+$0x0] =	vst.idx.msk $0xffff, v3  }
0x26: {  	_ =	sdelay $0x1  }
0x27: {  	v8 =	vor.u32 $0x5, v4  }
0x28: {  	v9 =	vor.u32 $0x6, v4  }
0x29: {  	[tilespmem:v6+s15+$0x0] =	vst.idx.msk $0xffff, v3;
	v4 =	vor.u32 $0x7, v4  }
0x2a: {  	[tilespmem:v5+s15+$0x0] =	vst.idx.msk $0xffff, v3  }
0x2b: {  	[tilespmem:v7+s15+$0x0] =	vst.idx.msk $0xffff, v2  }
0x2c: {  	[tilespmem:v8+s15+$0x0] =	vst.idx.msk $0xffff, v3  }
0x2d: {  	[tilespmem:v9+s15+$0x0] =	vst.idx.msk $0xffff, v3  }
0x2e: {  	[tilespmem:v4+s15+$0x0] =	vst.idx.msk $0xffff, v3  }
0x2f: {  	s3 =	simm.s32 $0x0;
	s8 =	simm.s32 $0x0;
	[bflag:$0x0] =	sbarrier.arrive $0xFFFF  }
.LBB2_4:
0x30: {  	s11 =	sadd.s32 s10, s8  }
0x31: {  	s12 =	sshll.u32 s11, $0x6  }
0x32: {  	s9 =	sadd.s32 s6, s12  }
0x33: {  	[tilespmem:s3], [sflag:$0x2] =	stream.linear.gather [hbm4b:s9+s3], $0x200, $0x38;
	[tilespmem:$0x8800] =	vst v63  }
0x34: {  	_ =	swait.ge [sflag:s14], $0x200  }
0x35: {  	[sflag:s14] =	ssyncset.done $0x0  }
0x36: {  	s12 =	sadd.s32 s7, s12;
	[sflag:s14] =	ssyncadd.s32 $0xFFFFFE00  }
0x37: {  	[tilespmem:s16], [sflag:$0x2] =	stream.linear.gather [hbm4b:s12+s3], $0x200, $0x38;
	[tilespmem:$0x8800] =	vst v63  }
0x38: {  	_ =	swait.ge [sflag:s14], $0x200  }
0x39: {  	s11 =	sshll.u32 s11, $0x9;
	[sflag:s14] =	ssyncset.done $0x0  }
0x3a: {  	s9 =	sadd.s32 s5, s11;
	[sflag:s14] =	ssyncadd.s32 $0xFFFFFE00  }
0x3b: {  	[tilespmem:s17], [sflag:$0x2] =	stream.linear.gather [hbm4b:s9+s3], $0x1000, $0x38;
	[tilespmem:$0x8800] =	vst v63  }
0x3c: {  	_ =	swait.ge [sflag:s14], $0x1000  }
0x3d: {  	[sflag:s14] =	ssyncset.done $0x0  }
0x3e: {  	[sflag:s14] =	ssyncadd.s32 $0xFFFFF000  }
0x3f: {  	[tilespmem:s19], [sflag:$0x1] =	stream.indirect.gather [hbm4b:s4+s18], $0x28, s3, s18, $0xb8;
	[tilespmem:$0x8800] =	vst v63  }
0x40: {  	_ = 	snop  }
0x41: {  	[tilespmem:s20], [sflag:$0x1] =	stream.indirect.gather [hbm4b:s4+s18], $0x28, s18, s18, $0xb8;
	[tilespmem:$0x8800] =	vst v63  }
0x42: {  	_ = 	snop  }
0x43: {  	[tilespmem:s22], [sflag:$0x1] =	stream.indirect.gather [hbm4b:s4+s18], $0x28, s21, s18, $0xb8;
	[tilespmem:$0x8800] =	vst v63  }
0x44: {  	_ = 	snop  }
0x45: {  	[tilespmem:s24], [sflag:$0x1] =	stream.indirect.gather [hbm4b:s4+s18], $0x28, s23, s18, $0xb8;
	[tilespmem:$0x8800] =	vst v63  }
0x46: {  	_ =	swait.ge [sflag:s25], $0x1400  }
0x47: {  	[sflag:s25] =	ssyncset.done $0x0  }
0x48: {  	[sflag:s25] =	ssyncadd.s32 $0xFFFFEC00  }
0x49: {  	_ =	swait.ge [sflag:s25], $0x1400  }
0x4a: {  	[sflag:s25] =	ssyncset.done $0x0  }
0x4b: {  	v4 =	vor.u32 s3, v0;
	[sflag:s25] =	ssyncadd.s32 $0xFFFFEC00  }
0x4c: {  	v5 =	vmul.u32 $0x28, v4;
	_ =	swait.ge [sflag:s25], $0x1400  }
0x4d: {  	[sflag:s25] =	ssyncset.done $0x0  }
0x4e: {  	v7 =	vshll.u32 v4, $0x3;
	[sflag:s25] =	ssyncadd.s32 $0xFFFFEC00  }
0x4f: {  	v6 =	vadd.s32 $0x8, v5;
	_ =	swait.ge [sflag:s25], $0x1400  }
0x50: {  	v8 =	vor.u32 $0x1, v5;
	[sflag:s25] =	ssyncset.done $0x0  }
0x51: {  	v9 =	vor.u32 $0x1, v7;
	[sflag:s25] =	ssyncadd.s32 $0xFFFFEC00  }
0x52: {  	v10 =	vor.u32 $0x2, v7;
	v11 =	vld.idx.msk [tilespmem:v5+s19+$0x0], $0xffff  }
0x53: {  	v12 =	vor.u32 $0x2, v5;
	v13 =	vld.idx.msk [tilespmem:v7+s17+$0x0], $0xffff  }
0x54: {  	v4 =	vor.u32 $0x3, v7;
	v6 =	vld.idx.msk [tilespmem:v6+s19+$0x0], $0xffff  }
0x55: {  	v14 =	vor.u32 $0x3, v5;
	v8 =	vld.idx.msk [tilespmem:v8+s19+$0x0], $0xffff  }
0x56: {  	v15 =	vor.u32 $0x4, v7;
	v16 =	vld.idx.msk [tilespmem:v9+s17+$0x0], $0xffff  }
0x57: {  	v17 =	vor.u32 $0x4, v5;
	v18 =	vld.idx.msk [tilespmem:v10+s17+$0x0], $0xffff  }
0x58: {  	v19 =	vor.u32 $0x5, v7;
	v12 =	vld.idx.msk [tilespmem:v12+s19+$0x0], $0xffff  }
0x59: {  	v20 =	vor.u32 $0x5, v5;
	v21 =	vld.idx.msk [tilespmem:v4+s17+$0x0], $0xffff;
	v11 =	vmul.f32 v11, v13  }
0x5a: {  	v22 =	vor.u32 $0x6, v7;
	v14 =	vld.idx.msk [tilespmem:v14+s19+$0x0], $0xffff  }
0x5b: {  	v15 =	vld.idx.msk [tilespmem:v15+s17+$0x0], $0xffff;
	v8 =	vmul.f32 v8, v16;
	v6 =	vadd.f32 v11, v6;
	v11 =	vor.u32 $0x6, v5  }
0x5c: {  	v23 =	vor.u32 $0x7, v5;
	v17 =	vld.idx.msk [tilespmem:v17+s19+$0x0], $0xffff  }
0x5d: {  	v24 =	vor.u32 $0x7, v7;
	v19 =	vld.idx.msk [tilespmem:v19+s17+$0x0], $0xffff;
	v6 =	vadd.f32 v8, v6;
	v8 =	vmul.f32 v12, v18  }
0x5e: {  	v12 =	vld.idx.msk [tilespmem:v20+s19+$0x0], $0xffff  }
0x5f: {  	v60 =	vld.idx.msk [tilespmem:v22+s17+$0x0], $0xffff;
	v14 =	vmul.f32 v14, v21;
	v6 =	vadd.f32 v8, v6  }
0x60: {  	v8 =	vld.idx.msk [tilespmem:v11+s19+$0x0], $0xffff  }
0x61: {  	v11 =	vmul.f32 v17, v15;
	v17 =	vld.idx.msk [tilespmem:v23+s19+$0x0], $0xffff;
	v14 =	vadd.f32 v14, v6  }
0x62: {  	v6 =	vld.idx.msk [tilespmem:v24+s17+$0x0], $0xffff  }
0x63: {  	v12 =	vmul.f32 v12, v19;
	v11 =	vadd.f32 v11, v14;
	_ =	sdelay $0x1  }
0x64: {  	v11 =	vadd.f32 v12, v11;
	v8 =	vmul.f32 v8, v60;
	_ =	sdelay $0x1  }
0x65: {  	v12 =	vadd.s32 $0xA, v5;
	v8 =	vadd.f32 v8, v11;
	v11 =	vmul.f32 v17, v6  }
0x66: {  	v14 =	vadd.s32 $0xB, v5  }
0x67: {  	v8 =	vadd.f32 v11, v8;
	v11 =	vadd.s32 $0x12, v5;
	_ =	sdelay $0x1  }
0x68: {  	[tilespmem:v7+s15+$0x0] =	vst.idx.msk $0xffff, v8;
	v7 =	vadd.s32 $0xC, v5  }
0x69: {  	v8 =	vld.idx.msk [tilespmem:v12+s19+$0x0], $0xffff  }
0x6a: {  	v12 =	vld.idx.msk [tilespmem:v14+s19+$0x0], $0xffff;
	v14 =	vadd.s32 $0xD, v5  }
0x6b: {  	v11 =	vld.idx.msk [tilespmem:v11+s19+$0x0], $0xffff  }
0x6c: {  	v17 =	vadd.s32 $0xE, v5  }
0x6d: {  	v7 =	vld.idx.msk [tilespmem:v7+s19+$0x0], $0xffff  }
0x6e: {  	v61 =	vadd.s32 $0xF, v5;
	v8 =	vmul.f32 v8, v13  }
0x6f: {  	v14 =	vld.idx.msk [tilespmem:v14+s19+$0x0], $0xffff  }
0x70: {  	v62 =	vadd.s32 $0x10, v5;
	v12 =	vmul.f32 v12, v16;
	v8 =	vadd.f32 v8, v11  }
0x71: {  	v11 =	vld.idx.msk [tilespmem:v17+s19+$0x0], $0xffff  }
0x72: {  	v17 =	vadd.s32 $0x11, v5;
	v8 =	vadd.f32 v12, v8;
	v7 =	vmul.f32 v7, v18  }
0x73: {  	v12 =	vld.idx.msk [tilespmem:v61+s19+$0x0], $0xffff  }
0x74: {  	v7 =	vadd.f32 v7, v8;
	v8 =	vmul.f32 v14, v21  }
0x75: {  	v14 =	vld.idx.msk [tilespmem:v62+s19+$0x0], $0xffff  }
0x76: {  	v7 =	vadd.f32 v8, v7;
	v8 =	vmul.f32 v11, v15  }
0x77: {  	v11 =	vld.idx.msk [tilespmem:v17+s19+$0x0], $0xffff  }
0x78: {  	v7 =	vadd.f32 v8, v7;
	v8 =	vmul.f32 v12, v19;
	_ =	sdelay $0x1  }
0x79: {  	v7 =	vadd.f32 v8, v7;
	v8 =	vmul.f32 v14, v60;
	_ =	sdelay $0x1  }
0x7a: {  	v7 =	vadd.f32 v8, v7;
	v8 =	vmul.f32 v11, v6;
	v11 =	vadd.s32 $0x14, v5  }
0x7b: {  	v12 =	vadd.s32 $0x15, v5  }
0x7c: {  	v7 =	vadd.f32 v8, v7;
	v8 =	vadd.s32 $0x1C, v5;
	_ =	sdelay $0x1  }
0x7d: {  	[tilespmem:v9+s15+$0x0] =	vst.idx.msk $0xffff, v7;
	v7 =	vadd.s32 $0x16, v5  }
0x7e: {  	v9 =	vld.idx.msk [tilespmem:v11+s19+$0x0], $0xffff  }
0x7f: {  	v11 =	vld.idx.msk [tilespmem:v12+s19+$0x0], $0xffff;
	v12 =	vadd.s32 $0x17, v5  }
0x80: {  	v8 =	vld.idx.msk [tilespmem:v8+s19+$0x0], $0xffff  }
0x81: {  	v14 =	vadd.s32 $0x18, v5  }
0x82: {  	v7 =	vld.idx.msk [tilespmem:v7+s19+$0x0], $0xffff  }
0x83: {  	v17 =	vadd.s32 $0x19, v5;
	v9 =	vmul.f32 v9, v13  }
0x84: {  	v12 =	vld.idx.msk [tilespmem:v12+s19+$0x0], $0xffff  }
0x85: {  	v63 =	vadd.s32 $0x1A, v5;
	v11 =	vmul.f32 v11, v16;
	v8 =	vadd.f32 v9, v8  }
0x86: {  	v9 =	vld.idx.msk [tilespmem:v14+s19+$0x0], $0xffff  }
0x87: {  	v14 =	vadd.s32 $0x1B, v5;
	v8 =	vadd.f32 v11, v8;
	v7 =	vmul.f32 v7, v18  }
0x88: {  	v11 =	vld.idx.msk [tilespmem:v17+s19+$0x0], $0xffff  }
0x89: {  	v7 =	vadd.f32 v7, v8;
	v8 =	vmul.f32 v12, v21  }
0x8a: {  	v12 =	vld.idx.msk [tilespmem:v63+s19+$0x0], $0xffff  }
0x8b: {  	v7 =	vadd.f32 v8, v7;
	v8 =	vmul.f32 v9, v15  }
0x8c: {  	v9 =	vld.idx.msk [tilespmem:v14+s19+$0x0], $0xffff  }
0x8d: {  	v7 =	vadd.f32 v8, v7;
	v8 =	vmul.f32 v11, v19;
	_ =	sdelay $0x1  }
0x8e: {  	v7 =	vadd.f32 v8, v7;
	v8 =	vmul.f32 v12, v60;
	_ =	sdelay $0x1  }
0x8f: {  	v7 =	vadd.f32 v8, v7;
	v8 =	vmul.f32 v9, v6;
	v9 =	vadd.s32 $0x1E, v5  }
0x90: {  	v11 =	vadd.s32 $0x26, v5  }
0x91: {  	v7 =	vadd.f32 v8, v7;
	v8 =	vadd.s32 $0x1F, v5;
	_ =	sdelay $0x1  }
0x92: {  	v12 =	vadd.s32 $0x20, v5;
	[tilespmem:v10+s15+$0x0] =	vst.idx.msk $0xffff, v7  }
0x93: {  	v7 =	vld.idx.msk [tilespmem:v9+s19+$0x0], $0xffff  }
0x94: {  	v9 =	vadd.s32 $0x21, v5;
	v10 =	vld.idx.msk [tilespmem:v11+s19+$0x0], $0xffff  }
0x95: {  	v8 =	vld.idx.msk [tilespmem:v8+s19+$0x0], $0xffff  }
0x96: {  	v11 =	vadd.s32 $0x22, v5  }
0x97: {  	v12 =	vld.idx.msk [tilespmem:v12+s19+$0x0], $0xffff  }
0x98: {  	v7 =	vmul.f32 v7, v13  }
0x99: {  	v9 =	vld.idx.msk [tilespmem:v9+s19+$0x0], $0xffff  }
0x9a: {  	v14 =	vadd.s32 $0x23, v5;
	v7 =	vadd.f32 v7, v10;
	v8 =	vmul.f32 v8, v16  }
0x9b: {  	v10 =	vld.idx.msk [tilespmem:v11+s19+$0x0], $0xffff  }
0x9c: {  	v13 =	vadd.s32 $0x24, v5;
	v11 =	vmul.f32 v12, v18;
	v7 =	vadd.f32 v8, v7  }
0x9d: {  	v5 =	vadd.s32 $0x25, v5  }
0x9e: {  	v9 =	vmul.f32 v9, v21;
	v7 =	vadd.f32 v11, v7  }
0x9f: {  	v8 =	vld.idx.msk [tilespmem:v14+s19+$0x0], $0xffff  }
0xa0: {  	v10 =	vmul.f32 v10, v15;
	v7 =	vadd.f32 v9, v7  }
0xa1: {  	v12 =	vld.idx.msk [tilespmem:v13+s19+$0x0], $0xffff  }
0xa2: {  	v10 =	vadd.f32 v10, v7;
	v7 =	vld.idx.msk [tilespmem:v5+s19+$0x0], $0xffff  }
0xa3: {  	s12 =	simm.s32 $0x10  }
0xa4: {  	v11 =	vor.u32 s12, v0;
	v9 =	vmul.f32 v8, v19  }
0xa5: {  	v15 =	vshll.u32 v11, $0x3  }
0xa6: {  	s11 =	simm.s32 $0x20;
	v8 =	vmul.f32 v12, v60;
	v5 =	vmul.u32 $0x28, v11;
	v9 =	vadd.f32 v9, v10  }
.LBB2_5:
0xa7: {  	p0 =	sne.s32 s11, $0x1F0;
	v6 =	vmul.f32 v7, v6;
	s12 =	smov.u32 s11;
	s11 =	sadd.s32 $0x10, s11  }
0xa8: {  	v16 =	vor.u32 $0x1, v15;
	v10 =	vadd.s32 $0x8, v5;
	v7 =	vadd.f32 v8, v9  }
0xa9: {  	v8 =	vor.u32 $0x1, v5  }
0xaa: {  	v6 =	vadd.f32 v6, v7  }
0xab: {  	v12 =	vor.u32 $0x2, v15;
	v11 =	vor.u32 $0x2, v5  }
0xac: {  	[tilespmem:v4+s15+$0x0] =	vst.idx.msk $0xffff, v6  }
0xad: {  	v6 =	vld.idx.msk [tilespmem:v5+s19+$0x0], $0xffff  }
0xae: {  	v13 =	vor.u32 $0x3, v5;
	v4 =	vor.u32 $0x3, v15;
	v7 =	vld.idx.msk [tilespmem:v15+s17+$0x0], $0xffff  }
0xaf: {  	v14 =	vld.idx.msk [tilespmem:v10+s19+$0x0], $0xffff  }
0xb0: {  	v17 =	vor.u32 $0x4, v15;
	v19 =	vor.u32 $0x4, v5;
	v18 =	vld.idx.msk [tilespmem:v8+s19+$0x0], $0xffff  }
0xb1: {  	v8 =	vld.idx.msk [tilespmem:v12+s17+$0x0], $0xffff  }
0xb2: {  	v9 =	vld.idx.msk [tilespmem:v16+s17+$0x0], $0xffff  }
0xb3: {  	v20 =	vor.u32 $0x5, v15;
	v22 =	vor.u32 $0x5, v5;
	v21 =	vld.idx.msk [tilespmem:v11+s19+$0x0], $0xffff  }
0xb4: {  	v6 =	vmul.f32 v6, v7;
	v10 =	vld.idx.msk [tilespmem:v4+s17+$0x0], $0xffff  }
0xb5: {  	v23 =	vld.idx.msk [tilespmem:v13+s19+$0x0], $0xffff  }
0xb6: {  	v24 =	vor.u32 $0x6, v5;
	v6 =	vadd.f32 v6, v14;
	v11 =	vld.idx.msk [tilespmem:v17+s17+$0x0], $0xffff;
	v17 =	vor.u32 $0x6, v15  }
0xb7: {  	v19 =	vld.idx.msk [tilespmem:v19+s19+$0x0], $0xffff  }
0xb8: {  	v14 =	vmul.f32 v18, v9;
	v18 =	vor.u32 $0x7, v5;
	v13 =	vld.idx.msk [tilespmem:v20+s17+$0x0], $0xffff  }
0xb9: {  	v20 =	vor.u32 $0x7, v15;
	v22 =	vld.idx.msk [tilespmem:v22+s19+$0x0], $0xffff  }
0xba: {  	v21 =	vmul.f32 v21, v8;
	v6 =	vadd.f32 v14, v6  }
0xbb: {  	v14 =	vld.idx.msk [tilespmem:v17+s17+$0x0], $0xffff;
	v17 =	vmul.f32 v23, v10  }
0xbc: {  	v21 =	vadd.f32 v21, v6;
	v23 =	vld.idx.msk [tilespmem:v24+s19+$0x0], $0xffff  }
0xbd: {  	v19 =	vmul.f32 v19, v11;
	v18 =	vld.idx.msk [tilespmem:v18+s19+$0x0], $0xffff  }
0xbe: {  	v17 =	vadd.f32 v17, v21;
	v6 =	vld.idx.msk [tilespmem:v20+s17+$0x0], $0xffff  }
0xbf: {  	v20 =	vmul.f32 v22, v13  }
0xc0: {  	v17 =	vadd.f32 v19, v17;
	_ =	sdelay $0x1  }
0xc1: {  	v17 =	vadd.f32 v20, v17;
	v19 =	vmul.f32 v23, v14;
	_ =	sdelay $0x1  }
0xc2: {  	v17 =	vadd.f32 v19, v17;
	v18 =	vmul.f32 v18, v6;
	v19 =	vadd.s32 $0xA, v5  }
0xc3: {  	v20 =	vadd.s32 $0xB, v5  }
0xc4: {  	v17 =	vadd.f32 v18, v17;
	v18 =	vadd.s32 $0x12, v5;
	_ =	sdelay $0x1  }
0xc5: {  	[tilespmem:v15+s15+$0x0] =	vst.idx.msk $0xffff, v17;
	v15 =	vadd.s32 $0xC, v5  }
0xc6: {  	v17 =	vld.idx.msk [tilespmem:v19+s19+$0x0], $0xffff  }
0xc7: {  	v19 =	vld.idx.msk [tilespmem:v20+s19+$0x0], $0xffff;
	v20 =	vadd.s32 $0xD, v5  }
0xc8: {  	v18 =	vld.idx.msk [tilespmem:v18+s19+$0x0], $0xffff  }
0xc9: {  	v21 =	vadd.s32 $0xE, v5  }
0xca: {  	v15 =	vld.idx.msk [tilespmem:v15+s19+$0x0], $0xffff  }
0xcb: {  	v22 =	vadd.s32 $0xF, v5  }
0xcc: {  	v17 =	vmul.f32 v17, v7;
	v20 =	vld.idx.msk [tilespmem:v20+s19+$0x0], $0xffff  }
0xcd: {  	v23 =	vadd.s32 $0x10, v5;
	v19 =	vmul.f32 v19, v9  }
0xce: {  	v17 =	vadd.f32 v17, v18;
	v18 =	vld.idx.msk [tilespmem:v21+s19+$0x0], $0xffff  }
0xcf: {  	v21 =	vadd.s32 $0x11, v5  }
0xd0: {  	v17 =	vadd.f32 v19, v17;
	v15 =	vmul.f32 v15, v8;
	v19 =	vld.idx.msk [tilespmem:v22+s19+$0x0], $0xffff;
	_ =	sdelay $0x1  }
0xd1: {  	v15 =	vadd.f32 v15, v17;
	v17 =	vmul.f32 v20, v10;
	v20 =	vld.idx.msk [tilespmem:v23+s19+$0x0], $0xffff;
	_ =	sdelay $0x1  }
0xd2: {  	v15 =	vadd.f32 v17, v15;
	v17 =	vmul.f32 v18, v11;
	v18 =	vld.idx.msk [tilespmem:v21+s19+$0x0], $0xffff;
	_ =	sdelay $0x1  }
0xd3: {  	v15 =	vadd.f32 v17, v15;
	v17 =	vmul.f32 v19, v13;
	_ =	sdelay $0x1  }
0xd4: {  	v15 =	vadd.f32 v17, v15;
	v17 =	vmul.f32 v20, v14;
	_ =	sdelay $0x1  }
0xd5: {  	v15 =	vadd.f32 v17, v15;
	v17 =	vmul.f32 v18, v6;
	v18 =	vadd.s32 $0x14, v5  }
0xd6: {  	v19 =	vadd.s32 $0x15, v5  }
0xd7: {  	v15 =	vadd.f32 v17, v15;
	v17 =	vadd.s32 $0x1C, v5;
	_ =	sdelay $0x1  }
0xd8: {  	[tilespmem:v16+s15+$0x0] =	vst.idx.msk $0xffff, v15;
	v15 =	vadd.s32 $0x16, v5  }
0xd9: {  	v16 =	vld.idx.msk [tilespmem:v18+s19+$0x0], $0xffff  }
0xda: {  	v18 =	vld.idx.msk [tilespmem:v19+s19+$0x0], $0xffff;
	v19 =	vadd.s32 $0x17, v5  }
0xdb: {  	v17 =	vld.idx.msk [tilespmem:v17+s19+$0x0], $0xffff  }
0xdc: {  	v20 =	vadd.s32 $0x18, v5  }
0xdd: {  	v15 =	vld.idx.msk [tilespmem:v15+s19+$0x0], $0xffff  }
0xde: {  	v21 =	vadd.s32 $0x19, v5  }
0xdf: {  	v16 =	vmul.f32 v16, v7;
	v19 =	vld.idx.msk [tilespmem:v19+s19+$0x0], $0xffff  }
0xe0: {  	v22 =	vadd.s32 $0x1A, v5;
	v18 =	vmul.f32 v18, v9  }
0xe1: {  	v16 =	vadd.f32 v16, v17;
	v17 =	vld.idx.msk [tilespmem:v20+s19+$0x0], $0xffff  }
0xe2: {  	v20 =	vadd.s32 $0x1B, v5  }
0xe3: {  	v16 =	vadd.f32 v18, v16;
	v15 =	vmul.f32 v15, v8;
	v18 =	vld.idx.msk [tilespmem:v21+s19+$0x0], $0xffff;
	_ =	sdelay $0x1  }
0xe4: {  	v15 =	vadd.f32 v15, v16;
	v16 =	vmul.f32 v19, v10;
	v19 =	vld.idx.msk [tilespmem:v22+s19+$0x0], $0xffff;
	_ =	sdelay $0x1  }
0xe5: {  	v15 =	vadd.f32 v16, v15;
	v16 =	vmul.f32 v17, v11;
	v17 =	vld.idx.msk [tilespmem:v20+s19+$0x0], $0xffff;
	_ =	sdelay $0x1  }
0xe6: {  	v15 =	vadd.f32 v16, v15;
	v16 =	vmul.f32 v18, v13;
	_ =	sdelay $0x1  }
0xe7: {  	v15 =	vadd.f32 v16, v15;
	v16 =	vmul.f32 v19, v14;
	_ =	sdelay $0x1  }
0xe8: {  	v15 =	vadd.f32 v16, v15;
	v16 =	vmul.f32 v17, v6;
	v17 =	vadd.s32 $0x1E, v5  }
0xe9: {  	v18 =	vadd.s32 $0x26, v5  }
0xea: {  	v15 =	vadd.f32 v16, v15;
	v16 =	vadd.s32 $0x1F, v5  }
0xeb: {  	v19 =	vadd.s32 $0x20, v5  }
0xec: {  	[tilespmem:v12+s15+$0x0] =	vst.idx.msk $0xffff, v15;
	v12 =	vadd.s32 $0x21, v5  }
0xed: {  	v15 =	vld.idx.msk [tilespmem:v17+s19+$0x0], $0xffff;
	v17 =	vadd.s32 $0x22, v5  }
0xee: {  	v20 =	vadd.s32 $0x23, v5;
	v18 =	vld.idx.msk [tilespmem:v18+s19+$0x0], $0xffff  }
0xef: {  	v21 =	vadd.s32 $0x24, v5;
	v16 =	vld.idx.msk [tilespmem:v16+s19+$0x0], $0xffff  }
0xf0: {  	v5 =	vadd.s32 $0x25, v5;
	v19 =	vld.idx.msk [tilespmem:v19+s19+$0x0], $0xffff  }
0xf1: {  	v12 =	vld.idx.msk [tilespmem:v12+s19+$0x0], $0xffff  }
0xf2: {  	v17 =	vld.idx.msk [tilespmem:v17+s19+$0x0], $0xffff  }
0xf3: {  	v7 =	vmul.f32 v15, v7;
	v15 =	vld.idx.msk [tilespmem:v20+s19+$0x0], $0xffff  }
0xf4: {  	v20 =	vld.idx.msk [tilespmem:v21+s19+$0x0], $0xffff  }
0xf5: {  	v18 =	vadd.f32 v7, v18;
	v9 =	vmul.f32 v16, v9;
	v7 =	vld.idx.msk [tilespmem:v5+s19+$0x0], $0xffff  }
0xf6: {  	v5 =	vmul.f32 v19, v8  }
0xf7: {  	v8 =	vadd.f32 v9, v18;
	v9 =	vmul.f32 v12, v10  }
0xf8: {  	v10 =	vmul.f32 v17, v11  }
0xf9: {  	v5 =	vadd.f32 v5, v8;
	v11 =	vmul.f32 v15, v13  }
0xfa: {  	v8 =	vmul.f32 v20, v14  }
.Ltmp1:
0xfb: {  	v5 =	vadd.f32 v9, v5;
	(pc) =	sbr.rel @p0 .LBB2_5-.Ltmp1, $4  }
0xfc: {  	_ = 	snop  }
0xfd: {  	v9 =	vor.u32 s12, v0;
	v10 =	vadd.f32 v10, v5  }
0xfe: {  	v5 =	vmul.u32 $0x28, v9  }
0xff: {  	v15 =	vshll.u32 v9, $0x3;
	v9 =	vadd.f32 v11, v10  }
0x100: {  	_ = 	snop  }
0x101: {  	v6 =	vmul.f32 v7, v6;
	v42 =	vadd.f32 v8, v9;
	_ =	sdelay $0x1  }
0x102: {  	v43 =	vadd.s32 $0x8, v5;
	v6 =	vadd.f32 v6, v42  }
0x103: {  	v44 =	vor.u32 $0x1, v5  }
0x104: {  	v45 =	vor.u32 $0x1, v15;
	[tilespmem:v4+s15+$0x0] =	vst.idx.msk $0xffff, v6  }
0x105: {  	v11 =	vor.u32 $0x2, v5;
	v10 =	vld.idx.msk [tilespmem:v5+s19+$0x0], $0xffff  }
0x106: {  	v6 =	vor.u32 $0x2, v15;
	v12 =	vld.idx.msk [tilespmem:v15+s17+$0x0], $0xffff  }
0x107: {  	v13 =	vor.u32 $0x3, v5;
	v8 =	vld.idx.msk [tilespmem:v43+s19+$0x0], $0xffff  }
0x108: {  	v4 =	vor.u32 $0x3, v15;
	v7 =	vld.idx.msk [tilespmem:v44+s19+$0x0], $0xffff  }
0x109: {  	v14 =	vor.u32 $0x4, v15;
	v16 =	vld.idx.msk [tilespmem:v45+s17+$0x0], $0xffff  }
0x10a: {  	v17 =	vor.u32 $0x4, v5;
	v11 =	vld.idx.msk [tilespmem:v11+s19+$0x0], $0xffff  }
0x10b: {  	v19 =	vor.u32 $0x5, v15;
	v18 =	vld.idx.msk [tilespmem:v6+s17+$0x0], $0xffff  }
0x10c: {  	v20 =	vor.u32 $0x5, v5;
	v13 =	vld.idx.msk [tilespmem:v13+s19+$0x0], $0xffff;
	v10 =	vmul.f32 v10, v12  }
0x10d: {  	v22 =	vor.u32 $0x6, v15;
	v21 =	vld.idx.msk [tilespmem:v4+s17+$0x0], $0xffff  }
0x10e: {  	v46 =	vor.u32 $0x6, v5;
	v14 =	vld.idx.msk [tilespmem:v14+s17+$0x0], $0xffff;
	v7 =	vmul.f32 v7, v16;
	v8 =	vadd.f32 v10, v8  }
0x10f: {  	v23 =	vor.u32 $0x7, v5;
	v17 =	vld.idx.msk [tilespmem:v17+s19+$0x0], $0xffff  }
0x110: {  	v24 =	vor.u32 $0x7, v15;
	v19 =	vld.idx.msk [tilespmem:v19+s17+$0x0], $0xffff;
	v7 =	vadd.f32 v7, v8;
	v47 =	vmul.f32 v11, v18  }
0x111: {  	v48 =	vld.idx.msk [tilespmem:v20+s19+$0x0], $0xffff  }
0x112: {  	v20 =	vld.idx.msk [tilespmem:v22+s17+$0x0], $0xffff;
	v13 =	vmul.f32 v13, v21;
	v7 =	vadd.f32 v47, v7  }
0x113: {  	v49 =	vld.idx.msk [tilespmem:v46+s19+$0x0], $0xffff  }
0x114: {  	v51 =	vld.idx.msk [tilespmem:v23+s19+$0x0], $0xffff;
	v50 =	vmul.f32 v17, v14;
	v7 =	vadd.f32 v13, v7  }
0x115: {  	v13 =	vld.idx.msk [tilespmem:v24+s17+$0x0], $0xffff  }
0x116: {  	v11 =	vmul.f32 v48, v19;
	v7 =	vadd.f32 v50, v7;
	_ =	sdelay $0x1  }
0x117: {  	v8 =	vmul.f32 v49, v20;
	v7 =	vadd.f32 v11, v7;
	_ =	sdelay $0x1  }
0x118: {  	v53 =	vadd.s32 $0xA, v5;
	v52 =	vmul.f32 v51, v13;
	v7 =	vadd.f32 v8, v7  }
0x119: {  	v54 =	vadd.s32 $0xB, v5  }
0x11a: {  	v55 =	vadd.s32 $0x12, v5;
	v7 =	vadd.f32 v52, v7;
	_ =	sdelay $0x1  }
0x11b: {  	v56 =	vadd.s32 $0xC, v5;
	[tilespmem:v15+s15+$0x0] =	vst.idx.msk $0xffff, v7  }
0x11c: {  	v10 =	vld.idx.msk [tilespmem:v53+s19+$0x0], $0xffff  }
0x11d: {  	v57 =	vadd.s32 $0xD, v5;
	v11 =	vld.idx.msk [tilespmem:v54+s19+$0x0], $0xffff  }
0x11e: {  	v8 =	vld.idx.msk [tilespmem:v55+s19+$0x0], $0xffff  }
0x11f: {  	v58 =	vadd.s32 $0xE, v5  }
0x120: {  	v7 =	vld.idx.msk [tilespmem:v56+s19+$0x0], $0xffff  }
0x121: {  	v59 =	vadd.s32 $0xF, v5;
	v10 =	vmul.f32 v10, v12  }
0x122: {  	v15 =	vld.idx.msk [tilespmem:v57+s19+$0x0], $0xffff  }
0x123: {  	v60 =	vadd.s32 $0x10, v5;
	v11 =	vmul.f32 v11, v16;
	v8 =	vadd.f32 v10, v8  }
0x124: {  	v61 =	vld.idx.msk [tilespmem:v58+s19+$0x0], $0xffff  }
0x125: {  	v62 =	vadd.s32 $0x11, v5;
	v7 =	vmul.f32 v7, v18;
	v8 =	vadd.f32 v11, v8  }
0x126: {  	v63 =	vld.idx.msk [tilespmem:v59+s19+$0x0], $0xffff  }
0x127: {  	v22 =	vmul.f32 v15, v21;
	v7 =	vadd.f32 v7, v8  }
0x128: {  	v24 =	vld.idx.msk [tilespmem:v60+s19+$0x0], $0xffff  }
0x129: {  	v25 =	vmul.f32 v61, v14;
	v7 =	vadd.f32 v22, v7  }
0x12a: {  	v26 =	vld.idx.msk [tilespmem:v62+s19+$0x0], $0xffff  }
0x12b: {  	v27 =	vmul.f32 v63, v19;
	v7 =	vadd.f32 v25, v7;
	_ =	sdelay $0x1  }
0x12c: {  	v28 =	vmul.f32 v24, v20;
	v7 =	vadd.f32 v27, v7;
	_ =	sdelay $0x1  }
0x12d: {  	v30 =	vadd.s32 $0x14, v5;
	v29 =	vmul.f32 v26, v13;
	v7 =	vadd.f32 v28, v7  }
0x12e: {  	v31 =	vadd.s32 $0x15, v5  }
0x12f: {  	v32 =	vadd.s32 $0x1C, v5;
	v7 =	vadd.f32 v29, v7;
	_ =	sdelay $0x1  }
0x130: {  	v33 =	vadd.s32 $0x16, v5;
	[tilespmem:v45+s15+$0x0] =	vst.idx.msk $0xffff, v7  }
0x131: {  	v9 =	vld.idx.msk [tilespmem:v30+s19+$0x0], $0xffff  }
0x132: {  	v35 =	vadd.s32 $0x17, v5;
	v34 =	vld.idx.msk [tilespmem:v31+s19+$0x0], $0xffff  }
0x133: {  	v8 =	vld.idx.msk [tilespmem:v32+s19+$0x0], $0xffff  }
0x134: {  	v36 =	vadd.s32 $0x18, v5  }
0x135: {  	v7 =	vld.idx.msk [tilespmem:v33+s19+$0x0], $0xffff  }
0x136: {  	v37 =	vadd.s32 $0x19, v5;
	v9 =	vmul.f32 v9, v12  }
0x137: {  	v11 =	vld.idx.msk [tilespmem:v35+s19+$0x0], $0xffff  }
0x138: {  	v38 =	vadd.s32 $0x1A, v5;
	v10 =	vmul.f32 v34, v16;
	v8 =	vadd.f32 v9, v8  }
0x139: {  	v39 =	vld.idx.msk [tilespmem:v36+s19+$0x0], $0xffff  }
0x13a: {  	v40 =	vadd.s32 $0x1B, v5;
	v7 =	vmul.f32 v7, v18;
	v8 =	vadd.f32 v10, v8  }
0x13b: {  	v41 =	vld.idx.msk [tilespmem:v37+s19+$0x0], $0xffff  }
0x13c: {  	v42 =	vmul.f32 v11, v21;
	v7 =	vadd.f32 v7, v8  }
0x13d: {  	v43 =	vld.idx.msk [tilespmem:v38+s19+$0x0], $0xffff  }
0x13e: {  	v44 =	vmul.f32 v39, v14;
	v7 =	vadd.f32 v42, v7  }
0x13f: {  	v45 =	vld.idx.msk [tilespmem:v40+s19+$0x0], $0xffff  }
0x140: {  	v46 =	vmul.f32 v41, v19;
	v7 =	vadd.f32 v44, v7;
	_ =	sdelay $0x1  }
0x141: {  	v47 =	vmul.f32 v43, v20;
	v7 =	vadd.f32 v46, v7;
	_ =	sdelay $0x1  }
0x142: {  	v49 =	vadd.s32 $0x1E, v5;
	v48 =	vmul.f32 v45, v13;
	v7 =	vadd.f32 v47, v7  }
0x143: {  	v50 =	vadd.s32 $0x26, v5  }
0x144: {  	v51 =	vadd.s32 $0x1F, v5;
	v7 =	vadd.f32 v48, v7;
	_ =	sdelay $0x1  }
0x145: {  	v52 =	vadd.s32 $0x20, v5;
	[tilespmem:v6+s15+$0x0] =	vst.idx.msk $0xffff, v7  }
0x146: {  	v6 =	vld.idx.msk [tilespmem:v49+s19+$0x0], $0xffff  }
0x147: {  	v53 =	vadd.s32 $0x21, v5;
	v54 =	vld.idx.msk [tilespmem:v50+s19+$0x0], $0xffff  }
0x148: {  	v8 =	vld.idx.msk [tilespmem:v51+s19+$0x0], $0xffff  }
0x149: {  	v55 =	vadd.s32 $0x22, v5  }
0x14a: {  	v11 =	vld.idx.msk [tilespmem:v52+s19+$0x0], $0xffff  }
0x14b: {  	v56 =	vadd.s32 $0x23, v5;
	v6 =	vmul.f32 v6, v12  }
0x14c: {  	v7 =	vld.idx.msk [tilespmem:v53+s19+$0x0], $0xffff  }
0x14d: {  	v57 =	vadd.s32 $0x24, v5;
	v8 =	vmul.f32 v8, v16;
	v6 =	vadd.f32 v6, v54  }
0x14e: {  	v58 =	vld.idx.msk [tilespmem:v55+s19+$0x0], $0xffff  }
0x14f: {  	v5 =	vadd.s32 $0x25, v5;
	v59 =	vmul.f32 v11, v18;
	v6 =	vadd.f32 v8, v6  }
0x150: {  	v60 =	vld.idx.msk [tilespmem:v56+s19+$0x0], $0xffff  }
0x151: {  	v7 =	vmul.f32 v7, v21;
	v6 =	vadd.f32 v59, v6  }
0x152: {  	v61 =	vld.idx.msk [tilespmem:v57+s19+$0x0], $0xffff  }
0x153: {  	v9 =	vmul.f32 v58, v14;
	v6 =	vadd.f32 v7, v6  }
0x154: {  	v5 =	vld.idx.msk [tilespmem:v5+s19+$0x0], $0xffff  }
0x155: {  	v62 =	vmul.f32 v60, v19;
	v6 =	vadd.f32 v9, v6;
	_ =	sdelay $0x1  }
0x156: {  	v63 =	vmul.f32 v61, v20;
	v6 =	vadd.f32 v62, v6;
	_ =	sdelay $0x1  }
0x157: {  	v5 =	vmul.f32 v5, v13;
	v6 =	vadd.f32 v63, v6;
	_ =	sdelay $0x1  }
0x158: {  	v5 =	vadd.f32 v5, v6;
	_ =	sdelay $0x1  }
0x159: {  	[tilespmem:v4+s15+$0x0] =	vst.idx.msk $0xffff, v5  }
0x15a: {  	[spmem:s2] =	stream.indirect.scatter.add.f32 [tilespmem:s15], [sflag:$0x2], $0x8, s16, s18, $0xb8;
	[tilespmem:$0x8800] =	vst v63  }
0x15b: {  	_ =	swait.ge [sflag:s14], $0x400  }
0x15c: {  	[sflag:s14] =	ssyncset.done $0x0  }
0x15d: {  	[sflag:s14] =	ssyncadd.s32 $0xFFFFFC00  }
0x15e: {  	[spmem:s2] =	stream.indirect.scatter.add.f32 [tilespmem:s28], [sflag:$0x2], $0x8, s26, s18, $0xb8;
	[tilespmem:$0x8800] =	vst v63  }
0x15f: {  	_ =	swait.ge [sflag:s14], $0x400  }
0x160: {  	[sflag:s14] =	ssyncset.done $0x0  }
0x161: {  	[sflag:s14] =	ssyncadd.s32 $0xFFFFFC00  }
0x162: {  	[spmem:s2] =	stream.indirect.scatter.add.f32 [tilespmem:s30], [sflag:$0x2], $0x8, s29, s18, $0xb8;
	[tilespmem:$0x8800] =	vst v63  }
0x163: {  	s8 =	sadd.s32 $0x1, s8;
	_ =	swait.ge [sflag:s14], $0x400  }
0x164: {  	p0 =	sne.s32 s8, $0xA;
	[sflag:s14] =	ssyncset.done $0x0  }
.Ltmp2:
0x165: {  	[sflag:s14] =	ssyncadd.s32 $0xFFFFFC00;
	(pc) =	sbr.rel @p0 .LBB2_4-.Ltmp2, $4  }
0x166: {  	[spmem:s2] =	stream.indirect.scatter.add.f32 [tilespmem:s0], [sflag:$0x2], $0x8, s31, s18, $0xb8;
	[tilespmem:$0x8800] =	vst v63  }
0x167: {  	_ =	swait.ge [sflag:s14], $0x400  }
0x168: {  	[sflag:s14] =	ssyncset.done $0x0  }
0x169: {  	[sflag:s14] =	ssyncadd.s32 $0xFFFFFC00  }
0x16a: {  	[bflag:$0x0] =	sbarrier.arrive $0xFFFF  }
0x16b: {  	s3 =	rddreg [dreg:$0x4]  }
0x16c: {  	s8 =	rddreg [dreg:$0x6]  }
0x16d: {  	[hbm:s3], [sflag:s13] =	dma.local [spmem:s8], $0x280  }
0x16e: {  	_ =	swait.ge [sflag:s14], $0x280  }
0x16f: {  	s9 =	smov.u32 s13;
	s1 =	sadd.s32 $0x1, s1;
	s13 =	rddreg [dreg:$0x5]  }
0x170: {  	p0 =	sne.s32 s1, s13  }
.Ltmp3:
0x171: {  	_ = 	snop;
	(pc) =	sbr.rel @p0 .LBB2_1-.Ltmp3, $3  }
0x172: {  	_ =	sdelay $0x1  }
0x173: {  	[sflag:s14] =	ssyncset.done $0x0  }
0x174: {  	[sflag:s14] =	ssyncadd.s32 $0xFFFFFD80  }
0x175: {  	_ =	sfence.sel $0x180000  }
0x176: {  	[bflag:$0x0] =	sbarrier.arrive $0xFFFF  }
0x177: {  	_ =	strace $0x90000047  }
0x178: {  	s0 =	stileid.u32;
	[bflag:$0x2] =	sbarrier.arrive $0xFFFF  }
0x179: {  	p0 =	sne.s32 s0, $0x0;
	s0 =	rddreg [dreg:$0x2]  }
0x17a: {  	s0 =	sadd.s32 @!p0 $0x100000, s0  }
0x17b: {  	[sflag:s0] =	ssyncadd.tile.s32 @!p0 $0x1;
	_ =	shalt  }
.Lfunc_end2:
_tile_overlayer_lowered:
.L_overlay_start_2:
0x17c: {  	(tag) =	ssettag $0x2  }
0x17d: {  	s0 =	rddreg [dreg:$0x0];
	s2 =	stileid.u32  }
0x17e: {  	s1 =	rddreg [dreg:$0x1];
	p0 =	sne.s32 s2, $0x0  }
0x17f: {  	s3 =	rddreg [dreg:$0x2];
	[bflag:$0x3] =	sbarrier.arrive $0xFFFF;
	s2 =	simm.s32 @!p0 $0x1C02  }
0x180: {  	[timem:s3], [sflag:s2] =	dma.local @!p0 [hbm:s0], s1  }
0x181: {  	s0 =	simm.s32 @!p0 $0x2  }
0x182: {  	_ =	swait.ge @!p0 [sflag:s0], s1  }
0x183: {  	s1 =	ssub.s32 @!p0 $0x0, s1;
	[sflag:s0] =	ssyncset.done @!p0 $0x0  }
0x184: {  	[sflag:s0] =	ssyncadd.s32 @!p0 s1  }
0x185: {  	[bflag:$0x3] =	sbarrier.arrive $0xFFFF  }
0x186: {  	_ =	shalt  }

</sc_bundles>
